<compile_context>
chip_gen: v7x
topology: tpu7x:2x2x1
jax: 0.10.2.dev20260603
libtpu: 0.0.44.dev20260713+nightly
codegen_flags: <defaults>
</compile_context>

<pallas_src>
import functools

import jax
import jax.numpy as jnp
import numpy as np
from jax import lax
from jax.experimental import pallas as pl
from jax.experimental.pallas import tpu as pltpu
from jax.experimental.pallas import tpu_sc as plsc

N_NODES = 10000
N_EDGES = 160000
RADIUS = 5.0
NB = 10
ACT_NORM = 1.6790

NW = 32
CH = 128
CPW = 80
E_PAD = 163840
EB = 3200

_STEP = RADIUS / (NB + 1)
_ISTEP2 = 1.0 / (_STEP * _STEP)
_EMB_C = 1.14136 * float(np.exp(2.0)) * float(np.sqrt(NB))

_A16 = np.zeros((16, 128), np.float32)
for _i in range(8):
    for _j in range(8):
        _A16[_i, _i * 8 + _j] = 1.0
for _j in range(8):
    _A16[11, 64 + _j] = 1.0
_B16 = np.zeros((16, 128), np.float32)
for _i in range(9):
    for _j in range(8):
        _B16[_j, _i * 8 + _j] = 1.0
_RH = np.zeros((16, 128), np.float32)
for _m in range(16):
    for _k in range(8):
        _RH[_m, _m * 8 + _k] = 1.0
_S = np.zeros((128, 8), np.float32)
for _m in range(16):
    for _k in range(8):
        _S[_m * 8 + _k, _k] = 1.0
_SP = np.zeros((128, 128), np.float32)
for _t in range(8):
    for _c in (8, 9, 10):
        for _c2 in range(16):
            _SP[16 * _t + _c, 16 * _t + _c2] = 1.0
_ABLK = np.zeros((8, 128, 128), np.float32)
_BBLK = np.zeros((8, 128, 128), np.float32)
_PLACE = np.zeros((8, 128, 16), np.float32)
for _t in range(8):
    _ABLK[_t, 16 * _t:16 * _t + 16, :] = _A16
    _BBLK[_t, 16 * _t:16 * _t + 16, :] = _B16
    for _a in range(16):
        _PLACE[_t, 16 * _t + _a, _a] = 1.0


def _sc_gather(table, idx_all):
    mesh = plsc.VectorSubcoreMesh(core_axis_name="c", subcore_axis_name="s")
    n_idx = idx_all.shape[0]

    nbuf = 4
    ipw = E_PAD // NW
    cpw = ipw // CH

    @functools.partial(
        pl.kernel,
        out_type=[jax.ShapeDtypeStruct((E_PAD, 16), jnp.float32),
                  jax.ShapeDtypeStruct((E_PAD, 16), jnp.float32)],
        mesh=mesh,
        scratch_types=[
            pltpu.VMEM((2 * ipw,), jnp.int32),
        ] + [pltpu.VMEM((CH, 16), jnp.float32) for _ in range(nbuf)]
          + [pltpu.SemaphoreType.DMA for _ in range(2 * nbuf)],
        compiler_params=pltpu.CompilerParams(use_tc_tiling_on_sc=False),
    )
    def k(table_hbm, idx_hbm, outl_hbm, outr_hbm, idx_v, r0, r1, r2, r3,
          g0, g1, g2, g3, o0, o1, o2, o3):
        rows = (r0, r1, r2, r3)
        gsem = (g0, g1, g2, g3)
        osem = (o0, o1, o2, o3)
        outs = (outl_hbm, outl_hbm, outr_hbm, outr_hbm)
        wid = lax.axis_index("s") * 2 + lax.axis_index("c")
        base = pl.multiple_of(wid * ipw, CH)
        pltpu.sync_copy(idx_hbm.at[pl.ds(base, ipw)], idx_v.at[pl.ds(0, ipw)])
        pltpu.sync_copy(idx_hbm.at[pl.ds(E_PAD + base, ipw)],
                        idx_v.at[pl.ds(ipw, ipw)])

        def body(j, carry):
            hs = []
            for b in range(nbuf):
                voff = (b // 2) * ipw + (2 * j + (b % 2)) * CH
                @pl.when(j > 0)
                def _(b=b):
                    pltpu.make_async_copy(
                        rows[b], outl_hbm.at[pl.ds(0, CH)], osem[b]).wait()
                hs.append(pltpu.async_copy(
                    table_hbm.at[idx_v.at[pl.ds(voff, CH)]],
                    rows[b], gsem[b]))
            for b in range(nbuf):
                hs[b].wait()
                off = pl.multiple_of(base + (2 * j + (b % 2)) * CH, CH)
                pltpu.async_copy(rows[b], outs[b].at[pl.ds(off, CH)], osem[b])
            return carry

        lax.fori_loop(0, cpw // 2, body, 0)
        for b in range(nbuf):
            pltpu.make_async_copy(
                rows[b], outl_hbm.at[pl.ds(0, CH)], osem[b]).wait()

    return k(table, idx_all)


def _tc_body(glp_ref, grp_ref, w1blk_ref, w2_ref, ablk_ref, bblk_ref,
             sp_ref, s_ref, out_ref):
    glp = glp_ref[...]
    grp = grp_ref[...]
    dot = functools.partial(jnp.dot, precision=lax.Precision.DEFAULT,
                            preferred_element_type=jnp.float32)

    d = glp - grp
    d2 = d * d
    r2b = jnp.dot(d2, sp_ref[...], precision=lax.Precision.HIGHEST,
                  preferred_element_type=jnp.float32)
    t = jnp.sqrt((r2b + 1e-12) * _ISTEP2)
    lane = lax.broadcasted_iota(jnp.int32, (EB // 8, 128), 1)
    c1 = ((lane & 15) + 1).astype(jnp.float32)
    diff = t - c1
    q = diff * diff
    den = 1.0 - q
    embp = jnp.where(q < 1.0, jnp.exp(-2.0 / den), 0.0)

    yb = jnp.concatenate(
        [dot(embp, w1blk_ref[t2]) for t2 in range(8)], axis=0)
    hb = ACT_NORM * jax.nn.silu(yb)

    xb1 = jnp.concatenate(
        [dot(glp, ablk_ref[t2]) for t2 in range(8)], axis=0)
    xb2 = jnp.concatenate(
        [dot(grp, bblk_ref[t2]) for t2 in range(8)], axis=0)
    g = xb1 * xb2

    p = dot(g, w2_ref[...])
    out_ref[...] = dot(p * hb, s_ref[...])


def _tc_compute(glp, grp, w1blk, w2p, ablk, bblk, sp, sel):
    grid = N_EDGES // EB
    full2 = lambda i: (0, 0)
    full3 = lambda i: (0, 0, 0)
    tile = lambda i: (i, 0)
    return pl.pallas_call(
        _tc_body,
        grid=(grid,),
        in_specs=[
            pl.BlockSpec((EB // 8, 128), tile),
            pl.BlockSpec((EB // 8, 128), tile),
            pl.BlockSpec((8, 128, 128), full3),
            pl.BlockSpec((128, 128), full2),
            pl.BlockSpec((8, 128, 128), full3),
            pl.BlockSpec((8, 128, 128), full3),
            pl.BlockSpec((128, 128), full2),
            pl.BlockSpec((128, 8), full2),
        ],
        out_specs=pl.BlockSpec((EB, 8), tile),
        out_shape=jax.ShapeDtypeStruct((N_EDGES, 8), jnp.float32),
    )(glp, grp, w1blk, w2p, ablk, bblk, sp, sel)


def kernel(x, pos, edge_index, W1, W2):
    idx = edge_index.astype(jnp.int32)
    idx = idx.reshape(2, N_EDGES // EB, 8, EB // 8)
    idx = idx.transpose(0, 1, 3, 2).reshape(2, N_EDGES)
    table = jnp.concatenate(
        [x, pos, jnp.ones((N_NODES, 1), x.dtype),
         jnp.zeros((N_NODES, 4), x.dtype)], axis=1)
    pad = E_PAD - N_EDGES
    lig = jnp.pad(idx[1], (0, pad))
    rec = jnp.pad(idx[0], (0, pad))
    idx_all = jnp.concatenate([lig, rec])

    gl, gr = _sc_gather(table, idx_all)

    w1p = jnp.concatenate(
        [W1, jnp.zeros((6, 16), W1.dtype)], axis=0) * (_EMB_C / np.sqrt(NB))
    w1b = w1p @ jnp.asarray(_RH)
    w1blk = jnp.asarray(_PLACE) @ w1b
    w2r = W2.reshape(16, 9, 8, 8).transpose(1, 2, 0, 3).reshape(72, 128)
    w2p = jnp.concatenate(
        [w2r, jnp.zeros((56, 128), W2.dtype)], axis=0) / (4.0 * np.sqrt(72.0))

    glp = gl.reshape(E_PAD // 8, 128)
    grp = gr.reshape(E_PAD // 8, 128)
    return _tc_compute(glp, grp, w1blk, w2p,
                       jnp.asarray(_ABLK), jnp.asarray(_BBLK),
                       jnp.asarray(_SP), jnp.asarray(_S))

# --- scband reference (transcript-rebuilt; emitter-appended) ---
"""Pipeline reference for scband-interaction-predictor-49022756716913 (READ-ONLY COPY).

The authoritative reference and input builder live on the scoring server;
editing this copy changes nothing except your own understanding.
"""

import jax, jax.numpy as jnp
import numpy as np

N_NODES = 10000
N_EDGES = 160000
D_FEAT = 8          # 8x0e node irreps (scalars)
RADIUS = 5.0
NUM_BASIS = 10      # int(radius * basis_density_per_A) = int(5.0 * 2)
HIDDEN = 16         # tp_weights_hidden_layers
N_SCALARS_IN1 = D_FEAT + 1   # node scalars + Y_0 (l=1 sh has no path to 0e output)
WEIGHT_NUMEL = N_SCALARS_IN1 * D_FEAT * D_FEAT  # 9*8*8 = 576
ACT_NORM = 1.6790   # e3nn normalize2mom factor for silu


def setup_inputs(seed: int = 0) -> dict:
    key = jax.random.key(seed)
    k1, k2, k3, k4, k5 = jax.random.split(key, 5)
    x = jax.random.normal(k1, (N_NODES, D_FEAT), dtype=jnp.float32)
    pos = jax.random.uniform(k2, (N_NODES, 3), dtype=jnp.float32) * 10.0
    edge_index = jax.random.randint(k3, (2, N_EDGES), 0, N_NODES, dtype=jnp.int64)
    W1 = jax.random.normal(k4, (NUM_BASIS, HIDDEN), dtype=jnp.float32)
    W2 = jax.random.normal(k5, (HIDDEN, WEIGHT_NUMEL), dtype=jnp.float32)
    return {"x": x, "pos": pos, "edge_index": edge_index, "W1": W1, "W2": W2}


def _sus(z):
    # e3nn sus(x) = exp(-1/x) for x > 0 else 0 (grad-safe)
    safe = jnp.where(z > 0, z, 1.0)
    return jnp.where(z > 0, jnp.exp(-1.0 / safe), 0.0)


def reference(x, pos, edge_index, W1, W2):
    edge_rec = edge_index[0]
    edge_lig = edge_index[1]
    # gather positions and form edge vectors
    edge_vec = pos[edge_lig] - pos[edge_rec]
    r = jnp.sqrt(jnp.sum(edge_vec * edge_vec, axis=1) + 1e-12)
    u = edge_vec / r[:, None]
    # spherical harmonics lmax=1, normalize=True, normalization='component'
    sh0 = jnp.ones((edge_vec.shape[0], 1), dtype=x.dtype)
    sh1 = jnp.sqrt(3.0) * jnp.stack([u[:, 1], u[:, 2], u[:, 0]], axis=1)  # e3nn (y,z,x) order
    sh = jnp.concatenate([sh0, sh1], axis=1)
    # soft_one_hot_linspace, basis='smooth_finite', cutoff=True
    values = jnp.linspace(0.0, RADIUS, NUM_BASIS + 2)
    step = values[1] - values[0]
    values = values[1:-1]
    diff = (r[:, None] - values[None, :]) / step
    emb = 1.14136 * np.exp(2.0) * _sus(diff + 1.0) * _sus(1.0 - diff)
    emb = emb * (NUM_BASIS ** 0.5)
    # e3nn FullyConnectedNet([NUM_BASIS, HIDDEN, WEIGHT_NUMEL], silu): no biases, normalized
    h = ACT_NORM * jax.nn.silu(emb @ W1 / np.sqrt(NUM_BASIS))
    w = (h @ W2) / np.sqrt(HIDDEN)
    w = w.reshape(-1, N_SCALARS_IN1, D_FEAT, D_FEAT)
    # FullyConnectedTensorProduct((8x0e + sh), 8x0e -> 8x0e): only scalar paths exist;
    # l=1 sh components have no path to 0e output, so input1 scalars are [x_lig, Y_0]
    x1 = jnp.concatenate([x[edge_lig], sh[:, :1]], axis=1)
    x2 = x[edge_rec]
    out = jnp.einsum('eijk,ei,ej->ek', w, x1, x2) / np.sqrt(N_SCALARS_IN1 * D_FEAT)
    return out

if __name__ == "__main__":
    import jax
    _d = setup_inputs()
    print(jax.jit(kernel)(*tuple(_d.values())))

</pallas_src>

<mosaic_0001>
#map = affine_map<(d0, d1) -> (0, 0)>
#map1 = affine_map<(d0, d1) -> (0)>
module attributes {stable_mosaic.version = 14 : i64} {
  func.func @k(%arg0: i32, %arg1: i32, %arg2: memref<10000x16xf32, #tpu.memory_space<hbm>>, %arg3: memref<327680xi32, #tpu.memory_space<hbm>>, %arg4: memref<163840x16xf32, #tpu.memory_space<hbm>>, %arg5: memref<163840x16xf32, #tpu.memory_space<hbm>>, %arg6: memref<10240xi32, #tpu.memory_space<vmem>>, %arg7: memref<128x16xf32, #tpu.memory_space<vmem>>, %arg8: memref<128x16xf32, #tpu.memory_space<vmem>>, %arg9: memref<128x16xf32, #tpu.memory_space<vmem>>, %arg10: memref<128x16xf32, #tpu.memory_space<vmem>>, %arg11: memref<!tpu.dma_semaphore, #tpu.memory_space<semaphore_mem>>, %arg12: memref<!tpu.dma_semaphore, #tpu.memory_space<semaphore_mem>>, %arg13: memref<!tpu.dma_semaphore, #tpu.memory_space<semaphore_mem>>, %arg14: memref<!tpu.dma_semaphore, #tpu.memory_space<semaphore_mem>>, %arg15: memref<!tpu.dma_semaphore, #tpu.memory_space<semaphore_mem>>, %arg16: memref<!tpu.dma_semaphore, #tpu.memory_space<semaphore_mem>>, %arg17: memref<!tpu.dma_semaphore, #tpu.memory_space<semaphore_mem>>, %arg18: memref<!tpu.dma_semaphore, #tpu.memory_space<semaphore_mem>>) attributes {dimension_semantics = [#tpu.dimension_semantics<core_parallel>, #tpu.dimension_semantics<subcore_parallel>], iteration_bounds = array<i64: 2, 16>, scalar_prefetch = 0 : i64, scratch_operands = 13 : i64, tpu.core_type = #tpu.core_type<sc_vector_subcore>, window_params = [{transform_indices = #map}, {transform_indices = #map1}, {transform_indices = #map}, {transform_indices = #map}]} {
    %mul3A = arith.constant 2 : i32
    %mul3A_0 = arith.muli %arg1, %mul3A : i32
    %add3A = arith.addi %mul3A_0, %arg0 : i32
    %mul3A_1 = arith.constant 5120 : i32
    %mul3A_2 = arith.muli %add3A, %mul3A_1 : i32
    %multiple_of3A = tpu.assume_multiple %mul3A_2, 128 : i32
    "tpu.region"() ({
      %run_scoped3A = tpu.sem_alloc : memref<!tpu.dma_semaphore, #tpu.memory_space<semaphore_mem>>
      %dma_start3A = arith.constant 0 : i32
      %dma_start3A_33 = tpu.memref_slice %arg6[%dma_start3A] : memref<10240xi32, #tpu.memory_space<vmem>> -> memref<5120xi32, #tpu.memory_space<vmem>>
      %dma_start3A_34 = tpu.memref_slice %arg3[%multiple_of3A] : memref<327680xi32, #tpu.memory_space<hbm>> -> memref<5120xi32, #tpu.memory_space<hbm>>
      %dma_start3A_35 = arith.constant 0 : i32
      %dma_start3A_36 = tpu.memref_slice %arg6[%dma_start3A_35] : memref<10240xi32, #tpu.memory_space<vmem>> -> memref<5120xi32, #tpu.memory_space<vmem>>
      %dma_start3A_37 = tpu.memref_slice %arg3[%multiple_of3A] : memref<327680xi32, #tpu.memory_space<hbm>> -> memref<5120xi32, #tpu.memory_space<hbm>>
      tpu.enqueue_dma source(%dma_start3A_37 : memref<5120xi32, #tpu.memory_space<hbm>>) target(%dma_start3A_36 : memref<5120xi32, #tpu.memory_space<vmem>>) target_semaphore(%run_scoped3A : memref<!tpu.dma_semaphore, #tpu.memory_space<semaphore_mem>>)
      %dma_wait3A_38 = arith.constant 0 : i32
      %dma_wait3A_39 = tpu.memref_slice %arg6[%dma_wait3A_38] : memref<10240xi32, #tpu.memory_space<vmem>> -> memref<5120xi32, #tpu.memory_space<vmem>>
      %dma_wait3A_40 = tpu.memref_slice %arg3[%multiple_of3A] : memref<327680xi32, #tpu.memory_space<hbm>> -> memref<5120xi32, #tpu.memory_space<hbm>>
      %dma_wait3A_41 = arith.constant 0 : i32
      %dma_wait3A_42 = tpu.memref_slice %arg6[%dma_wait3A_41] : memref<10240xi32, #tpu.memory_space<vmem>> -> memref<5120xi32, #tpu.memory_space<vmem>>
      %dma_wait3A_43 = tpu.memref_slice %arg3[%multiple_of3A] : memref<327680xi32, #tpu.memory_space<hbm>> -> memref<5120xi32, #tpu.memory_space<hbm>>
      tpu.wait_dma2 semaphore(%run_scoped3A : memref<!tpu.dma_semaphore, #tpu.memory_space<semaphore_mem>>) src(%dma_wait3A_43 : memref<5120xi32, #tpu.memory_space<hbm>>) dst(%dma_wait3A_42 : memref<5120xi32, #tpu.memory_space<vmem>>)
      tpu.yield
    }) : () -> ()
    %add3A_3 = arith.constant 163840 : i32
    %add3A_4 = arith.addi %add3A_3, %multiple_of3A : i32
    "tpu.region"() ({
      %run_scoped3A = tpu.sem_alloc : memref<!tpu.dma_semaphore, #tpu.memory_space<semaphore_mem>>
      %dma_start3A = arith.constant 5120 : i32
      %dma_start3A_33 = tpu.memref_slice %arg6[%dma_start3A] : memref<10240xi32, #tpu.memory_space<vmem>> -> memref<5120xi32, #tpu.memory_space<vmem>>
      %dma_start3A_34 = tpu.memref_slice %arg3[%add3A_4] : memref<327680xi32, #tpu.memory_space<hbm>> -> memref<5120xi32, #tpu.memory_space<hbm>>
      %dma_start3A_35 = arith.constant 5120 : i32
      %dma_start3A_36 = tpu.memref_slice %arg6[%dma_start3A_35] : memref<10240xi32, #tpu.memory_space<vmem>> -> memref<5120xi32, #tpu.memory_space<vmem>>
      %dma_start3A_37 = tpu.memref_slice %arg3[%add3A_4] : memref<327680xi32, #tpu.memory_space<hbm>> -> memref<5120xi32, #tpu.memory_space<hbm>>
      tpu.enqueue_dma source(%dma_start3A_37 : memref<5120xi32, #tpu.memory_space<hbm>>) target(%dma_start3A_36 : memref<5120xi32, #tpu.memory_space<vmem>>) target_semaphore(%run_scoped3A : memref<!tpu.dma_semaphore, #tpu.memory_space<semaphore_mem>>)
      %dma_wait3A_38 = arith.constant 5120 : i32
      %dma_wait3A_39 = tpu.memref_slice %arg6[%dma_wait3A_38] : memref<10240xi32, #tpu.memory_space<vmem>> -> memref<5120xi32, #tpu.memory_space<vmem>>
      %dma_wait3A_40 = tpu.memref_slice %arg3[%add3A_4] : memref<327680xi32, #tpu.memory_space<hbm>> -> memref<5120xi32, #tpu.memory_space<hbm>>
      %dma_wait3A_41 = arith.constant 5120 : i32
      %dma_wait3A_42 = tpu.memref_slice %arg6[%dma_wait3A_41] : memref<10240xi32, #tpu.memory_space<vmem>> -> memref<5120xi32, #tpu.memory_space<vmem>>
      %dma_wait3A_43 = tpu.memref_slice %arg3[%add3A_4] : memref<327680xi32, #tpu.memory_space<hbm>> -> memref<5120xi32, #tpu.memory_space<hbm>>
      tpu.wait_dma2 semaphore(%run_scoped3A : memref<!tpu.dma_semaphore, #tpu.memory_space<semaphore_mem>>) src(%dma_wait3A_43 : memref<5120xi32, #tpu.memory_space<hbm>>) dst(%dma_wait3A_42 : memref<5120xi32, #tpu.memory_space<vmem>>)
      tpu.yield
    }) : () -> ()
    %scan3A = arith.constant 0 : i32
    %scan3A_5 = arith.constant 0 : i32
    %scan3A_6 = arith.constant 20 : i32
    %scan3A_7 = arith.addi %scan3A_5, %scan3A_6 : i32
    %scan3A_8 = arith.constant 1 : i32
    scf.for %scan3A_33 = %scan3A_5 to %scan3A_7 step %scan3A_8  : i32 {
      %mul3A_34 = arith.constant 2 : i32
      %mul3A_35 = arith.muli %mul3A_34, %scan3A_33 : i32
      %add3A_36 = arith.constant 0 : i32
      %add3A_37 = arith.addi %mul3A_35, %add3A_36 : i32
      %mul3A_38 = arith.constant 128 : i32
      %mul3A_39 = arith.muli %add3A_37, %mul3A_38 : i32
      %add3A_40 = arith.constant 0 : i32
      %add3A_41 = arith.addi %add3A_40, %mul3A_39 : i32
      %gt3A = arith.constant 0 : i32
      %gt3A_42 = arith.cmpi sgt, %scan3A_33, %gt3A : i32
      %convert_element_type3A = arith.extui %gt3A_42 : i1 to i32
      %cond3A = arith.constant 0 : i32
      %cond3A_43 = arith.cmpi ne, %convert_element_type3A, %cond3A : i32
      scf.if %cond3A_43 {
        %dma_wait3A_162 = arith.constant 0 : i32
        %dma_wait3A_163 = arith.constant 0 : i32
        %dma_wait3A_164 = tpu.memref_slice %arg4[%dma_wait3A_162, %dma_wait3A_163] : memref<163840x16xf32, #tpu.memory_space<hbm>> -> memref<128x16xf32, #tpu.memory_space<hbm>>
        %dma_wait3A_165 = arith.constant 0 : i32
        %dma_wait3A_166 = arith.constant 0 : i32
        %dma_wait3A_167 = tpu.memref_slice %arg4[%dma_wait3A_165, %dma_wait3A_166] : memref<163840x16xf32, #tpu.memory_space<hbm>> -> memref<128x16xf32, #tpu.memory_space<hbm>>
        tpu.wait_dma2 semaphore(%arg15 : memref<!tpu.dma_semaphore, #tpu.memory_space<semaphore_mem>>) src(%arg7 : memref<128x16xf32, #tpu.memory_space<vmem>>) dst(%dma_wait3A_167 : memref<128x16xf32, #tpu.memory_space<hbm>>)
      } else {
      }
      %dma_start3A = tpu.memref_slice %arg6[%add3A_41] : memref<10240xi32, #tpu.memory_space<vmem>> -> memref<128xi32, #tpu.memory_space<vmem>>
      %dma_start3A_44 = arith.constant 0 : i32
      %dma_start3A_45 = arith.constant 0 : i32
      %dma_start3A_46 = tpu.memref_slice %arg2[%dma_start3A_44, %dma_start3A_45] : memref<10000x16xf32, #tpu.memory_space<hbm>> -> memref<10000x16xf32, #tpu.memory_space<hbm>>
      tpu.enqueue_indirect_dma source(%dma_start3A_46 : memref<10000x16xf32, #tpu.memory_space<hbm>>) target(%arg7 : memref<128x16xf32, #tpu.memory_space<vmem>>) offsets(%dma_start3A : memref<128xi32, #tpu.memory_space<vmem>>) semaphore(%arg11 : memref<!tpu.dma_semaphore, #tpu.memory_space<semaphore_mem>>)
      %mul3A_47 = arith.constant 2 : i32
      %mul3A_48 = arith.muli %mul3A_47, %scan3A_33 : i32
      %add3A_49 = arith.constant 1 : i32
      %add3A_50 = arith.addi %mul3A_48, %add3A_49 : i32
      %mul3A_51 = arith.constant 128 : i32
      %mul3A_52 = arith.muli %add3A_50, %mul3A_51 : i32
      %add3A_53 = arith.constant 0 : i32
      %add3A_54 = arith.addi %add3A_53, %mul3A_52 : i32
      %gt3A_55 = arith.constant 0 : i32
      %gt3A_56 = arith.cmpi sgt, %scan3A_33, %gt3A_55 : i32
      %convert_element_type3A_57 = arith.extui %gt3A_56 : i1 to i32
      %cond3A_58 = arith.constant 0 : i32
      %cond3A_59 = arith.cmpi ne, %convert_element_type3A_57, %cond3A_58 : i32
      scf.if %cond3A_59 {
        %dma_wait3A_162 = arith.constant 0 : i32
        %dma_wait3A_163 = arith.constant 0 : i32
        %dma_wait3A_164 = tpu.memref_slice %arg4[%dma_wait3A_162, %dma_wait3A_163] : memref<163840x16xf32, #tpu.memory_space<hbm>> -> memref<128x16xf32, #tpu.memory_space<hbm>>
        %dma_wait3A_165 = arith.constant 0 : i32
        %dma_wait3A_166 = arith.constant 0 : i32
        %dma_wait3A_167 = tpu.memref_slice %arg4[%dma_wait3A_165, %dma_wait3A_166] : memref<163840x16xf32, #tpu.memory_space<hbm>> -> memref<128x16xf32, #tpu.memory_space<hbm>>
        tpu.wait_dma2 semaphore(%arg16 : memref<!tpu.dma_semaphore, #tpu.memory_space<semaphore_mem>>) src(%arg8 : memref<128x16xf32, #tpu.memory_space<vmem>>) dst(%dma_wait3A_167 : memref<128x16xf32, #tpu.memory_space<hbm>>)
      } else {
      }
      %dma_start3A_60 = tpu.memref_slice %arg6[%add3A_54] : memref<10240xi32, #tpu.memory_space<vmem>> -> memref<128xi32, #tpu.memory_space<vmem>>
      %dma_start3A_61 = arith.constant 0 : i32
      %dma_start3A_62 = arith.constant 0 : i32
      %dma_start3A_63 = tpu.memref_slice %arg2[%dma_start3A_61, %dma_start3A_62] : memref<10000x16xf32, #tpu.memory_space<hbm>> -> memref<10000x16xf32, #tpu.memory_space<hbm>>
      tpu.enqueue_indirect_dma source(%dma_start3A_63 : memref<10000x16xf32, #tpu.memory_space<hbm>>) target(%arg8 : memref<128x16xf32, #tpu.memory_space<vmem>>) offsets(%dma_start3A_60 : memref<128xi32, #tpu.memory_space<vmem>>) semaphore(%arg12 : memref<!tpu.dma_semaphore, #tpu.memory_space<semaphore_mem>>)
      %mul3A_64 = arith.constant 2 : i32
      %mul3A_65 = arith.muli %mul3A_64, %scan3A_33 : i32
      %add3A_66 = arith.constant 0 : i32
      %add3A_67 = arith.addi %mul3A_65, %add3A_66 : i32
      %mul3A_68 = arith.constant 128 : i32
      %mul3A_69 = arith.muli %add3A_67, %mul3A_68 : i32
      %add3A_70 = arith.constant 5120 : i32
      %add3A_71 = arith.addi %add3A_70, %mul3A_69 : i32
      %gt3A_72 = arith.constant 0 : i32
      %gt3A_73 = arith.cmpi sgt, %scan3A_33, %gt3A_72 : i32
      %convert_element_type3A_74 = arith.extui %gt3A_73 : i1 to i32
      %cond3A_75 = arith.constant 0 : i32
      %cond3A_76 = arith.cmpi ne, %convert_element_type3A_74, %cond3A_75 : i32
      scf.if %cond3A_76 {
        %dma_wait3A_162 = arith.constant 0 : i32
        %dma_wait3A_163 = arith.constant 0 : i32
        %dma_wait3A_164 = tpu.memref_slice %arg4[%dma_wait3A_162, %dma_wait3A_163] : memref<163840x16xf32, #tpu.memory_space<hbm>> -> memref<128x16xf32, #tpu.memory_space<hbm>>
        %dma_wait3A_165 = arith.constant 0 : i32
        %dma_wait3A_166 = arith.constant 0 : i32
        %dma_wait3A_167 = tpu.memref_slice %arg4[%dma_wait3A_165, %dma_wait3A_166] : memref<163840x16xf32, #tpu.memory_space<hbm>> -> memref<128x16xf32, #tpu.memory_space<hbm>>
        tpu.wait_dma2 semaphore(%arg17 : memref<!tpu.dma_semaphore, #tpu.memory_space<semaphore_mem>>) src(%arg9 : memref<128x16xf32, #tpu.memory_space<vmem>>) dst(%dma_wait3A_167 : memref<128x16xf32, #tpu.memory_space<hbm>>)
      } else {
      }
      %dma_start3A_77 = tpu.memref_slice %arg6[%add3A_71] : memref<10240xi32, #tpu.memory_space<vmem>> -> memref<128xi32, #tpu.memory_space<vmem>>
      %dma_start3A_78 = arith.constant 0 : i32
      %dma_start3A_79 = arith.constant 0 : i32
      %dma_start3A_80 = tpu.memref_slice %arg2[%dma_start3A_78, %dma_start3A_79] : memref<10000x16xf32, #tpu.memory_space<hbm>> -> memref<10000x16xf32, #tpu.memory_space<hbm>>
      tpu.enqueue_indirect_dma source(%dma_start3A_80 : memref<10000x16xf32, #tpu.memory_space<hbm>>) target(%arg9 : memref<128x16xf32, #tpu.memory_space<vmem>>) offsets(%dma_start3A_77 : memref<128xi32, #tpu.memory_space<vmem>>) semaphore(%arg13 : memref<!tpu.dma_semaphore, #tpu.memory_space<semaphore_mem>>)
      %mul3A_81 = arith.constant 2 : i32
      %mul3A_82 = arith.muli %mul3A_81, %scan3A_33 : i32
      %add3A_83 = arith.constant 1 : i32
      %add3A_84 = arith.addi %mul3A_82, %add3A_83 : i32
      %mul3A_85 = arith.constant 128 : i32
      %mul3A_86 = arith.muli %add3A_84, %mul3A_85 : i32
      %add3A_87 = arith.constant 5120 : i32
      %add3A_88 = arith.addi %add3A_87, %mul3A_86 : i32
      %gt3A_89 = arith.constant 0 : i32
      %gt3A_90 = arith.cmpi sgt, %scan3A_33, %gt3A_89 : i32
      %convert_element_type3A_91 = arith.extui %gt3A_90 : i1 to i32
      %cond3A_92 = arith.constant 0 : i32
      %cond3A_93 = arith.cmpi ne, %convert_element_type3A_91, %cond3A_92 : i32
      scf.if %cond3A_93 {
        %dma_wait3A_162 = arith.constant 0 : i32
        %dma_wait3A_163 = arith.constant 0 : i32
        %dma_wait3A_164 = tpu.memref_slice %arg4[%dma_wait3A_162, %dma_wait3A_163] : memref<163840x16xf32, #tpu.memory_space<hbm>> -> memref<128x16xf32, #tpu.memory_space<hbm>>
        %dma_wait3A_165 = arith.constant 0 : i32
        %dma_wait3A_166 = arith.constant 0 : i32
        %dma_wait3A_167 = tpu.memref_slice %arg4[%dma_wait3A_165, %dma_wait3A_166] : memref<163840x16xf32, #tpu.memory_space<hbm>> -> memref<128x16xf32, #tpu.memory_space<hbm>>
        tpu.wait_dma2 semaphore(%arg18 : memref<!tpu.dma_semaphore, #tpu.memory_space<semaphore_mem>>) src(%arg10 : memref<128x16xf32, #tpu.memory_space<vmem>>) dst(%dma_wait3A_167 : memref<128x16xf32, #tpu.memory_space<hbm>>)
      } else {
      }
      %dma_start3A_94 = tpu.memref_slice %arg6[%add3A_88] : memref<10240xi32, #tpu.memory_space<vmem>> -> memref<128xi32, #tpu.memory_space<vmem>>
      %dma_start3A_95 = arith.constant 0 : i32
      %dma_start3A_96 = arith.constant 0 : i32
      %dma_start3A_97 = tpu.memref_slice %arg2[%dma_start3A_95, %dma_start3A_96] : memref<10000x16xf32, #tpu.memory_space<hbm>> -> memref<10000x16xf32, #tpu.memory_space<hbm>>
      tpu.enqueue_indirect_dma source(%dma_start3A_97 : memref<10000x16xf32, #tpu.memory_space<hbm>>) target(%arg10 : memref<128x16xf32, #tpu.memory_space<vmem>>) offsets(%dma_start3A_94 : memref<128xi32, #tpu.memory_space<vmem>>) semaphore(%arg14 : memref<!tpu.dma_semaphore, #tpu.memory_space<semaphore_mem>>)
      %dma_wait3A_98 = tpu.memref_slice %arg6[%add3A_41] : memref<10240xi32, #tpu.memory_space<vmem>> -> memref<128xi32, #tpu.memory_space<vmem>>
      %dma_wait3A_99 = arith.constant 0 : i32
      %dma_wait3A_100 = arith.constant 0 : i32
      %dma_wait3A_101 = tpu.memref_slice %arg2[%dma_wait3A_99, %dma_wait3A_100] : memref<10000x16xf32, #tpu.memory_space<hbm>> -> memref<10000x16xf32, #tpu.memory_space<hbm>>
      tpu.wait_indirect_dma semaphore(%arg11 : memref<!tpu.dma_semaphore, #tpu.memory_space<semaphore_mem>>) src(%dma_wait3A_101 : memref<10000x16xf32, #tpu.memory_space<hbm>>) dst(%arg7 : memref<128x16xf32, #tpu.memory_space<vmem>>)
      %mul3A_102 = arith.constant 2 : i32
      %mul3A_103 = arith.muli %mul3A_102, %scan3A_33 : i32
      %add3A_104 = arith.constant 0 : i32
      %add3A_105 = arith.addi %mul3A_103, %add3A_104 : i32
      %mul3A_106 = arith.constant 128 : i32
      %mul3A_107 = arith.muli %add3A_105, %mul3A_106 : i32
      %add3A_108 = arith.addi %multiple_of3A, %mul3A_107 : i32
      %multiple_of3A_109 = tpu.assume_multiple %add3A_108, 128 : i32
      %dma_start3A_110 = arith.constant 0 : i32
      %dma_start3A_111 = tpu.memref_slice %arg4[%multiple_of3A_109, %dma_start3A_110] : memref<163840x16xf32, #tpu.memory_space<hbm>> -> memref<128x16xf32, #tpu.memory_space<hbm>>
      %dma_start3A_112 = arith.constant 0 : i32
      %dma_start3A_113 = tpu.memref_slice %arg4[%multiple_of3A_109, %dma_start3A_112] : memref<163840x16xf32, #tpu.memory_space<hbm>> -> memref<128x16xf32, #tpu.memory_space<hbm>>
      tpu.enqueue_dma source(%arg7 : memref<128x16xf32, #tpu.memory_space<vmem>>) target(%dma_start3A_113 : memref<128x16xf32, #tpu.memory_space<hbm>>) target_semaphore(%arg15 : memref<!tpu.dma_semaphore, #tpu.memory_space<semaphore_mem>>)
      %dma_wait3A_114 = tpu.memref_slice %arg6[%add3A_54] : memref<10240xi32, #tpu.memory_space<vmem>> -> memref<128xi32, #tpu.memory_space<vmem>>
      %dma_wait3A_115 = arith.constant 0 : i32
      %dma_wait3A_116 = arith.constant 0 : i32
      %dma_wait3A_117 = tpu.memref_slice %arg2[%dma_wait3A_115, %dma_wait3A_116] : memref<10000x16xf32, #tpu.memory_space<hbm>> -> memref<10000x16xf32, #tpu.memory_space<hbm>>
      tpu.wait_indirect_dma semaphore(%arg12 : memref<!tpu.dma_semaphore, #tpu.memory_space<semaphore_mem>>) src(%dma_wait3A_117 : memref<10000x16xf32, #tpu.memory_space<hbm>>) dst(%arg8 : memref<128x16xf32, #tpu.memory_space<vmem>>)
      %mul3A_118 = arith.constant 2 : i32
      %mul3A_119 = arith.muli %mul3A_118, %scan3A_33 : i32
      %add3A_120 = arith.constant 1 : i32
      %add3A_121 = arith.addi %mul3A_119, %add3A_120 : i32
      %mul3A_122 = arith.constant 128 : i32
      %mul3A_123 = arith.muli %add3A_121, %mul3A_122 : i32
      %add3A_124 = arith.addi %multiple_of3A, %mul3A_123 : i32
      %multiple_of3A_125 = tpu.assume_multiple %add3A_124, 128 : i32
      %dma_start3A_126 = arith.constant 0 : i32
      %dma_start3A_127 = tpu.memref_slice %arg4[%multiple_of3A_125, %dma_start3A_126] : memref<163840x16xf32, #tpu.memory_space<hbm>> -> memref<128x16xf32, #tpu.memory_space<hbm>>
      %dma_start3A_128 = arith.constant 0 : i32
      %dma_start3A_129 = tpu.memref_slice %arg4[%multiple_of3A_125, %dma_start3A_128] : memref<163840x16xf32, #tpu.memory_space<hbm>> -> memref<128x16xf32, #tpu.memory_space<hbm>>
      tpu.enqueue_dma source(%arg8 : memref<128x16xf32, #tpu.memory_space<vmem>>) target(%dma_start3A_129 : memref<128x16xf32, #tpu.memory_space<hbm>>) target_semaphore(%arg16 : memref<!tpu.dma_semaphore, #tpu.memory_space<semaphore_mem>>)
      %dma_wait3A_130 = tpu.memref_slice %arg6[%add3A_71] : memref<10240xi32, #tpu.memory_space<vmem>> -> memref<128xi32, #tpu.memory_space<vmem>>
      %dma_wait3A_131 = arith.constant 0 : i32
      %dma_wait3A_132 = arith.constant 0 : i32
      %dma_wait3A_133 = tpu.memref_slice %arg2[%dma_wait3A_131, %dma_wait3A_132] : memref<10000x16xf32, #tpu.memory_space<hbm>> -> memref<10000x16xf32, #tpu.memory_space<hbm>>
      tpu.wait_indirect_dma semaphore(%arg13 : memref<!tpu.dma_semaphore, #tpu.memory_space<semaphore_mem>>) src(%dma_wait3A_133 : memref<10000x16xf32, #tpu.memory_space<hbm>>) dst(%arg9 : memref<128x16xf32, #tpu.memory_space<vmem>>)
      %mul3A_134 = arith.constant 2 : i32
      %mul3A_135 = arith.muli %mul3A_134, %scan3A_33 : i32
      %add3A_136 = arith.constant 0 : i32
      %add3A_137 = arith.addi %mul3A_135, %add3A_136 : i32
      %mul3A_138 = arith.constant 128 : i32
      %mul3A_139 = arith.muli %add3A_137, %mul3A_138 : i32
      %add3A_140 = arith.addi %multiple_of3A, %mul3A_139 : i32
      %multiple_of3A_141 = tpu.assume_multiple %add3A_140, 128 : i32
      %dma_start3A_142 = arith.constant 0 : i32
      %dma_start3A_143 = tpu.memref_slice %arg5[%multiple_of3A_141, %dma_start3A_142] : memref<163840x16xf32, #tpu.memory_space<hbm>> -> memref<128x16xf32, #tpu.memory_space<hbm>>
      %dma_start3A_144 = arith.constant 0 : i32
      %dma_start3A_145 = tpu.memref_slice %arg5[%multiple_of3A_141, %dma_start3A_144] : memref<163840x16xf32, #tpu.memory_space<hbm>> -> memref<128x16xf32, #tpu.memory_space<hbm>>
      tpu.enqueue_dma source(%arg9 : memref<128x16xf32, #tpu.memory_space<vmem>>) target(%dma_start3A_145 : memref<128x16xf32, #tpu.memory_space<hbm>>) target_semaphore(%arg17 : memref<!tpu.dma_semaphore, #tpu.memory_space<semaphore_mem>>)
      %dma_wait3A_146 = tpu.memref_slice %arg6[%add3A_88] : memref<10240xi32, #tpu.memory_space<vmem>> -> memref<128xi32, #tpu.memory_space<vmem>>
      %dma_wait3A_147 = arith.constant 0 : i32
      %dma_wait3A_148 = arith.constant 0 : i32
      %dma_wait3A_149 = tpu.memref_slice %arg2[%dma_wait3A_147, %dma_wait3A_148] : memref<10000x16xf32, #tpu.memory_space<hbm>> -> memref<10000x16xf32, #tpu.memory_space<hbm>>
      tpu.wait_indirect_dma semaphore(%arg14 : memref<!tpu.dma_semaphore, #tpu.memory_space<semaphore_mem>>) src(%dma_wait3A_149 : memref<10000x16xf32, #tpu.memory_space<hbm>>) dst(%arg10 : memref<128x16xf32, #tpu.memory_space<vmem>>)
      %mul3A_150 = arith.constant 2 : i32
      %mul3A_151 = arith.muli %mul3A_150, %scan3A_33 : i32
      %add3A_152 = arith.constant 1 : i32
      %add3A_153 = arith.addi %mul3A_151, %add3A_152 : i32
      %mul3A_154 = arith.constant 128 : i32
      %mul3A_155 = arith.muli %add3A_153, %mul3A_154 : i32
      %add3A_156 = arith.addi %multiple_of3A, %mul3A_155 : i32
      %multiple_of3A_157 = tpu.assume_multiple %add3A_156, 128 : i32
      %dma_start3A_158 = arith.constant 0 : i32
      %dma_start3A_159 = tpu.memref_slice %arg5[%multiple_of3A_157, %dma_start3A_158] : memref<163840x16xf32, #tpu.memory_space<hbm>> -> memref<128x16xf32, #tpu.memory_space<hbm>>
      %dma_start3A_160 = arith.constant 0 : i32
      %dma_start3A_161 = tpu.memref_slice %arg5[%multiple_of3A_157, %dma_start3A_160] : memref<163840x16xf32, #tpu.memory_space<hbm>> -> memref<128x16xf32, #tpu.memory_space<hbm>>
      tpu.enqueue_dma source(%arg10 : memref<128x16xf32, #tpu.memory_space<vmem>>) target(%dma_start3A_161 : memref<128x16xf32, #tpu.memory_space<hbm>>) target_semaphore(%arg18 : memref<!tpu.dma_semaphore, #tpu.memory_space<semaphore_mem>>)
    }
    %scan3A_9 = arith.constant 20 : i32
    %dma_wait3A = arith.constant 0 : i32
    %dma_wait3A_10 = arith.constant 0 : i32
    %dma_wait3A_11 = tpu.memref_slice %arg4[%dma_wait3A, %dma_wait3A_10] : memref<163840x16xf32, #tpu.memory_space<hbm>> -> memref<128x16xf32, #tpu.memory_space<hbm>>
    %dma_wait3A_12 = arith.constant 0 : i32
    %dma_wait3A_13 = arith.constant 0 : i32
    %dma_wait3A_14 = tpu.memref_slice %arg4[%dma_wait3A_12, %dma_wait3A_13] : memref<163840x16xf32, #tpu.memory_space<hbm>> -> memref<128x16xf32, #tpu.memory_space<hbm>>
    tpu.wait_dma2 semaphore(%arg15 : memref<!tpu.dma_semaphore, #tpu.memory_space<semaphore_mem>>) src(%arg7 : memref<128x16xf32, #tpu.memory_space<vmem>>) dst(%dma_wait3A_14 : memref<128x16xf32, #tpu.memory_space<hbm>>)
    %dma_wait3A_15 = arith.constant 0 : i32
    %dma_wait3A_16 = arith.constant 0 : i32
    %dma_wait3A_17 = tpu.memref_slice %arg4[%dma_wait3A_15, %dma_wait3A_16] : memref<163840x16xf32, #tpu.memory_space<hbm>> -> memref<128x16xf32, #tpu.memory_space<hbm>>
    %dma_wait3A_18 = arith.constant 0 : i32
    %dma_wait3A_19 = arith.constant 0 : i32
    %dma_wait3A_20 = tpu.memref_slice %arg4[%dma_wait3A_18, %dma_wait3A_19] : memref<163840x16xf32, #tpu.memory_space<hbm>> -> memref<128x16xf32, #tpu.memory_space<hbm>>
    tpu.wait_dma2 semaphore(%arg16 : memref<!tpu.dma_semaphore, #tpu.memory_space<semaphore_mem>>) src(%arg8 : memref<128x16xf32, #tpu.memory_space<vmem>>) dst(%dma_wait3A_20 : memref<128x16xf32, #tpu.memory_space<hbm>>)
    %dma_wait3A_21 = arith.constant 0 : i32
    %dma_wait3A_22 = arith.constant 0 : i32
    %dma_wait3A_23 = tpu.memref_slice %arg4[%dma_wait3A_21, %dma_wait3A_22] : memref<163840x16xf32, #tpu.memory_space<hbm>> -> memref<128x16xf32, #tpu.memory_space<hbm>>
    %dma_wait3A_24 = arith.constant 0 : i32
    %dma_wait3A_25 = arith.constant 0 : i32
    %dma_wait3A_26 = tpu.memref_slice %arg4[%dma_wait3A_24, %dma_wait3A_25] : memref<163840x16xf32, #tpu.memory_space<hbm>> -> memref<128x16xf32, #tpu.memory_space<hbm>>
    tpu.wait_dma2 semaphore(%arg17 : memref<!tpu.dma_semaphore, #tpu.memory_space<semaphore_mem>>) src(%arg9 : memref<128x16xf32, #tpu.memory_space<vmem>>) dst(%dma_wait3A_26 : memref<128x16xf32, #tpu.memory_space<hbm>>)
    %dma_wait3A_27 = arith.constant 0 : i32
    %dma_wait3A_28 = arith.constant 0 : i32
    %dma_wait3A_29 = tpu.memref_slice %arg4[%dma_wait3A_27, %dma_wait3A_28] : memref<163840x16xf32, #tpu.memory_space<hbm>> -> memref<128x16xf32, #tpu.memory_space<hbm>>
    %dma_wait3A_30 = arith.constant 0 : i32
    %dma_wait3A_31 = arith.constant 0 : i32
    %dma_wait3A_32 = tpu.memref_slice %arg4[%dma_wait3A_30, %dma_wait3A_31] : memref<163840x16xf32, #tpu.memory_space<hbm>> -> memref<128x16xf32, #tpu.memory_space<hbm>>
    tpu.wait_dma2 semaphore(%arg18 : memref<!tpu.dma_semaphore, #tpu.memory_space<semaphore_mem>>) src(%arg10 : memref<128x16xf32, #tpu.memory_space<vmem>>) dst(%dma_wait3A_32 : memref<128x16xf32, #tpu.memory_space<hbm>>)
    return
  }
}

module attributes {stable_mosaic.version = 14 : i64} {
  func.func @_tc_body(%arg0: i32, %arg1: memref<400x128xf32, #tpu.memory_space<vmem>>, %arg2: memref<400x128xf32, #tpu.memory_space<vmem>>, %arg3: memref<8x128x128xf32, #tpu.memory_space<vmem>>, %arg4: memref<128x128xf32, #tpu.memory_space<vmem>>, %arg5: memref<8x128x128xf32, #tpu.memory_space<vmem>>, %arg6: memref<8x128x128xf32, #tpu.memory_space<vmem>>, %arg7: memref<128x128xf32, #tpu.memory_space<vmem>>, %arg8: memref<128x8xf32, #tpu.memory_space<vmem>>, %arg9: memref<3200x8xf32, #tpu.memory_space<vmem>>) attributes {dimension_semantics = [#tpu.dimension_semantics<arbitrary>], iteration_bounds = array<i64: 50>, scalar_prefetch = 0 : i64, scratch_operands = 0 : i64, tpu.core_type = #tpu.core_type<tc>, window_params = [{transform_indices = @transform_0, window_bounds = array<i64: 400, 128>}, {transform_indices = @transform_1, window_bounds = array<i64: 400, 128>}, {pipeline_mode = #tpu.pipeline_mode<synchronous>, transform_indices = @transform_2, window_bounds = array<i64: 8, 128, 128>}, {pipeline_mode = #tpu.pipeline_mode<synchronous>, transform_indices = @transform_3, window_bounds = array<i64: 128, 128>}, {pipeline_mode = #tpu.pipeline_mode<synchronous>, transform_indices = @transform_4, window_bounds = array<i64: 8, 128, 128>}, {pipeline_mode = #tpu.pipeline_mode<synchronous>, transform_indices = @transform_5, window_bounds = array<i64: 8, 128, 128>}, {pipeline_mode = #tpu.pipeline_mode<synchronous>, transform_indices = @transform_6, window_bounds = array<i64: 128, 128>}, {pipeline_mode = #tpu.pipeline_mode<synchronous>, transform_indices = @transform_7, window_bounds = array<i64: 128, 8>}, {transform_indices = @transform_8, window_bounds = array<i64: 3200, 8>}]} {
    %get3A = arith.constant 0 : index
    %get3A_0 = arith.constant 0 : index
    %get3A_1 = vector.load %arg1[%get3A, %get3A_0] : memref<400x128xf32, #tpu.memory_space<vmem>>, vector<400x128xf32>
    %get3A_2 = arith.constant 0 : index
    %get3A_3 = arith.constant 0 : index
    %get3A_4 = vector.load %arg2[%get3A_2, %get3A_3] : memref<400x128xf32, #tpu.memory_space<vmem>>, vector<400x128xf32>
    %sub3A = arith.subf %get3A_1, %get3A_4 : vector<400x128xf32>
    %mul3A = arith.mulf %sub3A, %sub3A : vector<400x128xf32>
    %get3A_5 = arith.constant 0 : index
    %get3A_6 = arith.constant 0 : index
    %get3A_7 = vector.load %arg7[%get3A_5, %get3A_6] : memref<128x128xf32, #tpu.memory_space<vmem>>, vector<128x128xf32>
    %dot_general3A = arith.constant dense<0.000000e+00> : vector<400x128xf32>
    %dot_general3A_8 = tpu.matmul %mul3A, %get3A_7, %dot_general3A {dimension_numbers = #tpu.dot_dimension_numbers<[1], [0], [0], [1], [0, 0, 1, 1], [], []>, precision = #tpu.contract_precision<fp32>, transpose_lhs_hint = false} : vector<400x128xf32>, vector<128x128xf32>, vector<400x128xf32> -> vector<400x128xf32>
    %add3A = arith.constant 9.99999996E-13 : f32
    %add3A_9 = vector.broadcast %add3A : f32 to vector<400x128xf32>
    %add3A_10 = arith.addf %dot_general3A_8, %add3A_9 : vector<400x128xf32>
    %mul3A_11 = arith.constant 4.840000e+00 : f32
    %mul3A_12 = vector.broadcast %mul3A_11 : f32 to vector<400x128xf32>
    %mul3A_13 = arith.mulf %add3A_10, %mul3A_12 : vector<400x128xf32>
    %sqrt3A = math.sqrt %mul3A_13 : vector<400x128xf32>
    %iota3A = tpu.iota {dimensions = array<i32: 1>} : vector<400x128xi32>
    %and3A = arith.constant 15 : i32
    %and3A_14 = vector.broadcast %and3A : i32 to vector<400x128xi32>
    %and3A_15 = arith.andi %iota3A, %and3A_14 : vector<400x128xi32>
    %add3A_16 = arith.constant 1 : i32
    %add3A_17 = vector.broadcast %add3A_16 : i32 to vector<400x128xi32>
    %add3A_18 = arith.addi %and3A_15, %add3A_17 : vector<400x128xi32>
    %convert_element_type3A = arith.sitofp %add3A_18 : vector<400x128xi32> to vector<400x128xf32>
    %sub3A_19 = arith.subf %sqrt3A, %convert_element_type3A : vector<400x128xf32>
    %mul3A_20 = arith.mulf %sub3A_19, %sub3A_19 : vector<400x128xf32>
    %sub3A_21 = arith.constant 1.000000e+00 : f32
    %sub3A_22 = vector.broadcast %sub3A_21 : f32 to vector<400x128xf32>
    %sub3A_23 = arith.subf %sub3A_22, %mul3A_20 : vector<400x128xf32>
    %lt3A = arith.constant 1.000000e+00 : f32
    %lt3A_24 = vector.broadcast %lt3A : f32 to vector<400x128xf32>
    %lt3A_25 = arith.cmpf olt, %mul3A_20, %lt3A_24 : vector<400x128xf32>
    %div3A = arith.constant -2.000000e+00 : f32
    %div3A_26 = vector.broadcast %div3A : f32 to vector<400x128xf32>
    %div3A_27 = arith.divf %div3A_26, %sub3A_23 : vector<400x128xf32>
    %exp3A = math.exp %div3A_27 : vector<400x128xf32>
    %jit3A = arith.constant 0.000000e+00 : f32
    %broadcast_in_dim3A = vector.broadcast %jit3A : f32 to vector<400x128xf32>
    %select_n3A = arith.select %lt3A_25, %exp3A, %broadcast_in_dim3A : vector<400x128xi1>, vector<400x128xf32>
    %get3A_28 = arith.constant 0 : index
    %get3A_29 = arith.constant 0 : index
    %get3A_30 = arith.constant 0 : index
    %get3A_31 = vector.load %arg3[%get3A_28, %get3A_29, %get3A_30] : memref<8x128x128xf32, #tpu.memory_space<vmem>>, vector<1x128x128xf32>
    %get3A_32 = vector.shape_cast %get3A_31 : vector<1x128x128xf32> to vector<128x128xf32>
    %dot_general3A_33 = arith.constant dense<0.000000e+00> : vector<400x128xf32>
    %dot_general3A_34 = tpu.matmul %select_n3A, %get3A_32, %dot_general3A_33 {dimension_numbers = #tpu.dot_dimension_numbers<[1], [0], [0], [1], [0, 0, 1, 1], [], []>, transpose_lhs_hint = false} : vector<400x128xf32>, vector<128x128xf32>, vector<400x128xf32> -> vector<400x128xf32>
    %get3A_35 = arith.constant 1 : index
    %get3A_36 = arith.constant 0 : index
    %get3A_37 = arith.constant 0 : index
    %get3A_38 = vector.load %arg3[%get3A_35, %get3A_36, %get3A_37] : memref<8x128x128xf32, #tpu.memory_space<vmem>>, vector<1x128x128xf32>
    %get3A_39 = vector.shape_cast %get3A_38 : vector<1x128x128xf32> to vector<128x128xf32>
    %dot_general3A_40 = arith.constant dense<0.000000e+00> : vector<400x128xf32>
    %dot_general3A_41 = tpu.matmul %select_n3A, %get3A_39, %dot_general3A_40 {dimension_numbers = #tpu.dot_dimension_numbers<[1], [0], [0], [1], [0, 0, 1, 1], [], []>, transpose_lhs_hint = false} : vector<400x128xf32>, vector<128x128xf32>, vector<400x128xf32> -> vector<400x128xf32>
    %get3A_42 = arith.constant 2 : index
    %get3A_43 = arith.constant 0 : index
    %get3A_44 = arith.constant 0 : index
    %get3A_45 = vector.load %arg3[%get3A_42, %get3A_43, %get3A_44] : memref<8x128x128xf32, #tpu.memory_space<vmem>>, vector<1x128x128xf32>
    %get3A_46 = vector.shape_cast %get3A_45 : vector<1x128x128xf32> to vector<128x128xf32>
    %dot_general3A_47 = arith.constant dense<0.000000e+00> : vector<400x128xf32>
    %dot_general3A_48 = tpu.matmul %select_n3A, %get3A_46, %dot_general3A_47 {dimension_numbers = #tpu.dot_dimension_numbers<[1], [0], [0], [1], [0, 0, 1, 1], [], []>, transpose_lhs_hint = false} : vector<400x128xf32>, vector<128x128xf32>, vector<400x128xf32> -> vector<400x128xf32>
    %get3A_49 = arith.constant 3 : index
    %get3A_50 = arith.constant 0 : index
    %get3A_51 = arith.constant 0 : index
    %get3A_52 = vector.load %arg3[%get3A_49, %get3A_50, %get3A_51] : memref<8x128x128xf32, #tpu.memory_space<vmem>>, vector<1x128x128xf32>
    %get3A_53 = vector.shape_cast %get3A_52 : vector<1x128x128xf32> to vector<128x128xf32>
    %dot_general3A_54 = arith.constant dense<0.000000e+00> : vector<400x128xf32>
    %dot_general3A_55 = tpu.matmul %select_n3A, %get3A_53, %dot_general3A_54 {dimension_numbers = #tpu.dot_dimension_numbers<[1], [0], [0], [1], [0, 0, 1, 1], [], []>, transpose_lhs_hint = false} : vector<400x128xf32>, vector<128x128xf32>, vector<400x128xf32> -> vector<400x128xf32>
    %get3A_56 = arith.constant 4 : index
    %get3A_57 = arith.constant 0 : index
    %get3A_58 = arith.constant 0 : index
    %get3A_59 = vector.load %arg3[%get3A_56, %get3A_57, %get3A_58] : memref<8x128x128xf32, #tpu.memory_space<vmem>>, vector<1x128x128xf32>
    %get3A_60 = vector.shape_cast %get3A_59 : vector<1x128x128xf32> to vector<128x128xf32>
    %dot_general3A_61 = arith.constant dense<0.000000e+00> : vector<400x128xf32>
    %dot_general3A_62 = tpu.matmul %select_n3A, %get3A_60, %dot_general3A_61 {dimension_numbers = #tpu.dot_dimension_numbers<[1], [0], [0], [1], [0, 0, 1, 1], [], []>, transpose_lhs_hint = false} : vector<400x128xf32>, vector<128x128xf32>, vector<400x128xf32> -> vector<400x128xf32>
    %get3A_63 = arith.constant 5 : index
    %get3A_64 = arith.constant 0 : index
    %get3A_65 = arith.constant 0 : index
    %get3A_66 = vector.load %arg3[%get3A_63, %get3A_64, %get3A_65] : memref<8x128x128xf32, #tpu.memory_space<vmem>>, vector<1x128x128xf32>
    %get3A_67 = vector.shape_cast %get3A_66 : vector<1x128x128xf32> to vector<128x128xf32>
    %dot_general3A_68 = arith.constant dense<0.000000e+00> : vector<400x128xf32>
    %dot_general3A_69 = tpu.matmul %select_n3A, %get3A_67, %dot_general3A_68 {dimension_numbers = #tpu.dot_dimension_numbers<[1], [0], [0], [1], [0, 0, 1, 1], [], []>, transpose_lhs_hint = false} : vector<400x128xf32>, vector<128x128xf32>, vector<400x128xf32> -> vector<400x128xf32>
    %get3A_70 = arith.constant 6 : index
    %get3A_71 = arith.constant 0 : index
    %get3A_72 = arith.constant 0 : index
    %get3A_73 = vector.load %arg3[%get3A_70, %get3A_71, %get3A_72] : memref<8x128x128xf32, #tpu.memory_space<vmem>>, vector<1x128x128xf32>
    %get3A_74 = vector.shape_cast %get3A_73 : vector<1x128x128xf32> to vector<128x128xf32>
    %dot_general3A_75 = arith.constant dense<0.000000e+00> : vector<400x128xf32>
    %dot_general3A_76 = tpu.matmul %select_n3A, %get3A_74, %dot_general3A_75 {dimension_numbers = #tpu.dot_dimension_numbers<[1], [0], [0], [1], [0, 0, 1, 1], [], []>, transpose_lhs_hint = false} : vector<400x128xf32>, vector<128x128xf32>, vector<400x128xf32> -> vector<400x128xf32>
    %get3A_77 = arith.constant 7 : index
    %get3A_78 = arith.constant 0 : index
    %get3A_79 = arith.constant 0 : index
    %get3A_80 = vector.load %arg3[%get3A_77, %get3A_78, %get3A_79] : memref<8x128x128xf32, #tpu.memory_space<vmem>>, vector<1x128x128xf32>
    %get3A_81 = vector.shape_cast %get3A_80 : vector<1x128x128xf32> to vector<128x128xf32>
    %dot_general3A_82 = arith.constant dense<0.000000e+00> : vector<400x128xf32>
    %dot_general3A_83 = tpu.matmul %select_n3A, %get3A_81, %dot_general3A_82 {dimension_numbers = #tpu.dot_dimension_numbers<[1], [0], [0], [1], [0, 0, 1, 1], [], []>, transpose_lhs_hint = false} : vector<400x128xf32>, vector<128x128xf32>, vector<400x128xf32> -> vector<400x128xf32>
    %concatenate3A = tpu.concatenate %dot_general3A_34, %dot_general3A_41, %dot_general3A_48, %dot_general3A_55, %dot_general3A_62, %dot_general3A_69, %dot_general3A_76, %dot_general3A_83 in 0 : vector<400x128xf32>, vector<400x128xf32>, vector<400x128xf32>, vector<400x128xf32>, vector<400x128xf32>, vector<400x128xf32>, vector<400x128xf32>, vector<400x128xf32> -> vector<3200x128xf32>
    %logistic3A = arith.negf %concatenate3A : vector<3200x128xf32>
    %logistic3A_84 = math.exp %logistic3A : vector<3200x128xf32>
    %logistic3A_85 = arith.constant 1.000000e+00 : f32
    %logistic3A_86 = vector.broadcast %logistic3A_85 : f32 to vector<3200x128xf32>
    %logistic3A_87 = arith.addf %logistic3A_86, %logistic3A_84 : vector<3200x128xf32>
    %logistic3A_88 = arith.divf %logistic3A_86, %logistic3A_87 : vector<3200x128xf32>
    %mul3A_89 = arith.mulf %concatenate3A, %logistic3A_88 : vector<3200x128xf32>
    %mul3A_90 = arith.constant 1.679000e+00 : f32
    %mul3A_91 = vector.broadcast %mul3A_90 : f32 to vector<3200x128xf32>
    %mul3A_92 = arith.mulf %mul3A_91, %mul3A_89 : vector<3200x128xf32>
    %get3A_93 = arith.constant 0 : index
    %get3A_94 = arith.constant 0 : index
    %get3A_95 = arith.constant 0 : index
    %get3A_96 = vector.load %arg5[%get3A_93, %get3A_94, %get3A_95] : memref<8x128x128xf32, #tpu.memory_space<vmem>>, vector<1x128x128xf32>
    %get3A_97 = vector.shape_cast %get3A_96 : vector<1x128x128xf32> to vector<128x128xf32>
    %dot_general3A_98 = arith.constant dense<0.000000e+00> : vector<400x128xf32>
    %dot_general3A_99 = tpu.matmul %get3A_1, %get3A_97, %dot_general3A_98 {dimension_numbers = #tpu.dot_dimension_numbers<[1], [0], [0], [1], [0, 0, 1, 1], [], []>, transpose_lhs_hint = false} : vector<400x128xf32>, vector<128x128xf32>, vector<400x128xf32> -> vector<400x128xf32>
    %get3A_100 = arith.constant 1 : index
    %get3A_101 = arith.constant 0 : index
    %get3A_102 = arith.constant 0 : index
    %get3A_103 = vector.load %arg5[%get3A_100, %get3A_101, %get3A_102] : memref<8x128x128xf32, #tpu.memory_space<vmem>>, vector<1x128x128xf32>
    %get3A_104 = vector.shape_cast %get3A_103 : vector<1x128x128xf32> to vector<128x128xf32>
    %dot_general3A_105 = arith.constant dense<0.000000e+00> : vector<400x128xf32>
    %dot_general3A_106 = tpu.matmul %get3A_1, %get3A_104, %dot_general3A_105 {dimension_numbers = #tpu.dot_dimension_numbers<[1], [0], [0], [1], [0, 0, 1, 1], [], []>, transpose_lhs_hint = false} : vector<400x128xf32>, vector<128x128xf32>, vector<400x128xf32> -> vector<400x128xf32>
    %get3A_107 = arith.constant 2 : index
    %get3A_108 = arith.constant 0 : index
    %get3A_109 = arith.constant 0 : index
    %get3A_110 = vector.load %arg5[%get3A_107, %get3A_108, %get3A_109] : memref<8x128x128xf32, #tpu.memory_space<vmem>>, vector<1x128x128xf32>
    %get3A_111 = vector.shape_cast %get3A_110 : vector<1x128x128xf32> to vector<128x128xf32>
    %dot_general3A_112 = arith.constant dense<0.000000e+00> : vector<400x128xf32>
    %dot_general3A_113 = tpu.matmul %get3A_1, %get3A_111, %dot_general3A_112 {dimension_numbers = #tpu.dot_dimension_numbers<[1], [0], [0], [1], [0, 0, 1, 1], [], []>, transpose_lhs_hint = false} : vector<400x128xf32>, vector<128x128xf32>, vector<400x128xf32> -> vector<400x128xf32>
    %get3A_114 = arith.constant 3 : index
    %get3A_115 = arith.constant 0 : index
    %get3A_116 = arith.constant 0 : index
    %get3A_117 = vector.load %arg5[%get3A_114, %get3A_115, %get3A_116] : memref<8x128x128xf32, #tpu.memory_space<vmem>>, vector<1x128x128xf32>
    %get3A_118 = vector.shape_cast %get3A_117 : vector<1x128x128xf32> to vector<128x128xf32>
    %dot_general3A_119 = arith.constant dense<0.000000e+00> : vector<400x128xf32>
    %dot_general3A_120 = tpu.matmul %get3A_1, %get3A_118, %dot_general3A_119 {dimension_numbers = #tpu.dot_dimension_numbers<[1], [0], [0], [1], [0, 0, 1, 1], [], []>, transpose_lhs_hint = false} : vector<400x128xf32>, vector<128x128xf32>, vector<400x128xf32> -> vector<400x128xf32>
    %get3A_121 = arith.constant 4 : index
    %get3A_122 = arith.constant 0 : index
    %get3A_123 = arith.constant 0 : index
    %get3A_124 = vector.load %arg5[%get3A_121, %get3A_122, %get3A_123] : memref<8x128x128xf32, #tpu.memory_space<vmem>>, vector<1x128x128xf32>
    %get3A_125 = vector.shape_cast %get3A_124 : vector<1x128x128xf32> to vector<128x128xf32>
    %dot_general3A_126 = arith.constant dense<0.000000e+00> : vector<400x128xf32>
    %dot_general3A_127 = tpu.matmul %get3A_1, %get3A_125, %dot_general3A_126 {dimension_numbers = #tpu.dot_dimension_numbers<[1], [0], [0], [1], [0, 0, 1, 1], [], []>, transpose_lhs_hint = false} : vector<400x128xf32>, vector<128x128xf32>, vector<400x128xf32> -> vector<400x128xf32>
    %get3A_128 = arith.constant 5 : index
    %get3A_129 = arith.constant 0 : index
    %get3A_130 = arith.constant 0 : index
    %get3A_131 = vector.load %arg5[%get3A_128, %get3A_129, %get3A_130] : memref<8x128x128xf32, #tpu.memory_space<vmem>>, vector<1x128x128xf32>
    %get3A_132 = vector.shape_cast %get3A_131 : vector<1x128x128xf32> to vector<128x128xf32>
    %dot_general3A_133 = arith.constant dense<0.000000e+00> : vector<400x128xf32>
    %dot_general3A_134 = tpu.matmul %get3A_1, %get3A_132, %dot_general3A_133 {dimension_numbers = #tpu.dot_dimension_numbers<[1], [0], [0], [1], [0, 0, 1, 1], [], []>, transpose_lhs_hint = false} : vector<400x128xf32>, vector<128x128xf32>, vector<400x128xf32> -> vector<400x128xf32>
    %get3A_135 = arith.constant 6 : index
    %get3A_136 = arith.constant 0 : index
    %get3A_137 = arith.constant 0 : index
    %get3A_138 = vector.load %arg5[%get3A_135, %get3A_136, %get3A_137] : memref<8x128x128xf32, #tpu.memory_space<vmem>>, vector<1x128x128xf32>
    %get3A_139 = vector.shape_cast %get3A_138 : vector<1x128x128xf32> to vector<128x128xf32>
    %dot_general3A_140 = arith.constant dense<0.000000e+00> : vector<400x128xf32>
    %dot_general3A_141 = tpu.matmul %get3A_1, %get3A_139, %dot_general3A_140 {dimension_numbers = #tpu.dot_dimension_numbers<[1], [0], [0], [1], [0, 0, 1, 1], [], []>, transpose_lhs_hint = false} : vector<400x128xf32>, vector<128x128xf32>, vector<400x128xf32> -> vector<400x128xf32>
    %get3A_142 = arith.constant 7 : index
    %get3A_143 = arith.constant 0 : index
    %get3A_144 = arith.constant 0 : index
    %get3A_145 = vector.load %arg5[%get3A_142, %get3A_143, %get3A_144] : memref<8x128x128xf32, #tpu.memory_space<vmem>>, vector<1x128x128xf32>
    %get3A_146 = vector.shape_cast %get3A_145 : vector<1x128x128xf32> to vector<128x128xf32>
    %dot_general3A_147 = arith.constant dense<0.000000e+00> : vector<400x128xf32>
    %dot_general3A_148 = tpu.matmul %get3A_1, %get3A_146, %dot_general3A_147 {dimension_numbers = #tpu.dot_dimension_numbers<[1], [0], [0], [1], [0, 0, 1, 1], [], []>, transpose_lhs_hint = false} : vector<400x128xf32>, vector<128x128xf32>, vector<400x128xf32> -> vector<400x128xf32>
    %concatenate3A_149 = tpu.concatenate %dot_general3A_99, %dot_general3A_106, %dot_general3A_113, %dot_general3A_120, %dot_general3A_127, %dot_general3A_134, %dot_general3A_141, %dot_general3A_148 in 0 : vector<400x128xf32>, vector<400x128xf32>, vector<400x128xf32>, vector<400x128xf32>, vector<400x128xf32>, vector<400x128xf32>, vector<400x128xf32>, vector<400x128xf32> -> vector<3200x128xf32>
    %get3A_150 = arith.constant 0 : index
    %get3A_151 = arith.constant 0 : index
    %get3A_152 = arith.constant 0 : index
    %get3A_153 = vector.load %arg6[%get3A_150, %get3A_151, %get3A_152] : memref<8x128x128xf32, #tpu.memory_space<vmem>>, vector<1x128x128xf32>
    %get3A_154 = vector.shape_cast %get3A_153 : vector<1x128x128xf32> to vector<128x128xf32>
    %dot_general3A_155 = arith.constant dense<0.000000e+00> : vector<400x128xf32>
    %dot_general3A_156 = tpu.matmul %get3A_4, %get3A_154, %dot_general3A_155 {dimension_numbers = #tpu.dot_dimension_numbers<[1], [0], [0], [1], [0, 0, 1, 1], [], []>, transpose_lhs_hint = false} : vector<400x128xf32>, vector<128x128xf32>, vector<400x128xf32> -> vector<400x128xf32>
    %get3A_157 = arith.constant 1 : index
    %get3A_158 = arith.constant 0 : index
    %get3A_159 = arith.constant 0 : index
    %get3A_160 = vector.load %arg6[%get3A_157, %get3A_158, %get3A_159] : memref<8x128x128xf32, #tpu.memory_space<vmem>>, vector<1x128x128xf32>
    %get3A_161 = vector.shape_cast %get3A_160 : vector<1x128x128xf32> to vector<128x128xf32>
    %dot_general3A_162 = arith.constant dense<0.000000e+00> : vector<400x128xf32>
    %dot_general3A_163 = tpu.matmul %get3A_4, %get3A_161, %dot_general3A_162 {dimension_numbers = #tpu.dot_dimension_numbers<[1], [0], [0], [1], [0, 0, 1, 1], [], []>, transpose_lhs_hint = false} : vector<400x128xf32>, vector<128x128xf32>, vector<400x128xf32> -> vector<400x128xf32>
    %get3A_164 = arith.constant 2 : index
    %get3A_165 = arith.constant 0 : index
    %get3A_166 = arith.constant 0 : index
    %get3A_167 = vector.load %arg6[%get3A_164, %get3A_165, %get3A_166] : memref<8x128x128xf32, #tpu.memory_space<vmem>>, vector<1x128x128xf32>
    %get3A_168 = vector.shape_cast %get3A_167 : vector<1x128x128xf32> to vector<128x128xf32>
    %dot_general3A_169 = arith.constant dense<0.000000e+00> : vector<400x128xf32>
    %dot_general3A_170 = tpu.matmul %get3A_4, %get3A_168, %dot_general3A_169 {dimension_numbers = #tpu.dot_dimension_numbers<[1], [0], [0], [1], [0, 0, 1, 1], [], []>, transpose_lhs_hint = false} : vector<400x128xf32>, vector<128x128xf32>, vector<400x128xf32> -> vector<400x128xf32>
    %get3A_171 = arith.constant 3 : index
    %get3A_172 = arith.constant 0 : index
    %get3A_173 = arith.constant 0 : index
    %get3A_174 = vector.load %arg6[%get3A_171, %get3A_172, %get3A_173] : memref<8x128x128xf32, #tpu.memory_space<vmem>>, vector<1x128x128xf32>
    %get3A_175 = vector.shape_cast %get3A_174 : vector<1x128x128xf32> to vector<128x128xf32>
    %dot_general3A_176 = arith.constant dense<0.000000e+00> : vector<400x128xf32>
    %dot_general3A_177 = tpu.matmul %get3A_4, %get3A_175, %dot_general3A_176 {dimension_numbers = #tpu.dot_dimension_numbers<[1], [0], [0], [1], [0, 0, 1, 1], [], []>, transpose_lhs_hint = false} : vector<400x128xf32>, vector<128x128xf32>, vector<400x128xf32> -> vector<400x128xf32>
    %get3A_178 = arith.constant 4 : index
    %get3A_179 = arith.constant 0 : index
    %get3A_180 = arith.constant 0 : index
    %get3A_181 = vector.load %arg6[%get3A_178, %get3A_179, %get3A_180] : memref<8x128x128xf32, #tpu.memory_space<vmem>>, vector<1x128x128xf32>
    %get3A_182 = vector.shape_cast %get3A_181 : vector<1x128x128xf32> to vector<128x128xf32>
    %dot_general3A_183 = arith.constant dense<0.000000e+00> : vector<400x128xf32>
    %dot_general3A_184 = tpu.matmul %get3A_4, %get3A_182, %dot_general3A_183 {dimension_numbers = #tpu.dot_dimension_numbers<[1], [0], [0], [1], [0, 0, 1, 1], [], []>, transpose_lhs_hint = false} : vector<400x128xf32>, vector<128x128xf32>, vector<400x128xf32> -> vector<400x128xf32>
    %get3A_185 = arith.constant 5 : index
    %get3A_186 = arith.constant 0 : index
    %get3A_187 = arith.constant 0 : index
    %get3A_188 = vector.load %arg6[%get3A_185, %get3A_186, %get3A_187] : memref<8x128x128xf32, #tpu.memory_space<vmem>>, vector<1x128x128xf32>
    %get3A_189 = vector.shape_cast %get3A_188 : vector<1x128x128xf32> to vector<128x128xf32>
    %dot_general3A_190 = arith.constant dense<0.000000e+00> : vector<400x128xf32>
    %dot_general3A_191 = tpu.matmul %get3A_4, %get3A_189, %dot_general3A_190 {dimension_numbers = #tpu.dot_dimension_numbers<[1], [0], [0], [1], [0, 0, 1, 1], [], []>, transpose_lhs_hint = false} : vector<400x128xf32>, vector<128x128xf32>, vector<400x128xf32> -> vector<400x128xf32>
    %get3A_192 = arith.constant 6 : index
    %get3A_193 = arith.constant 0 : index
    %get3A_194 = arith.constant 0 : index
    %get3A_195 = vector.load %arg6[%get3A_192, %get3A_193, %get3A_194] : memref<8x128x128xf32, #tpu.memory_space<vmem>>, vector<1x128x128xf32>
    %get3A_196 = vector.shape_cast %get3A_195 : vector<1x128x128xf32> to vector<128x128xf32>
    %dot_general3A_197 = arith.constant dense<0.000000e+00> : vector<400x128xf32>
    %dot_general3A_198 = tpu.matmul %get3A_4, %get3A_196, %dot_general3A_197 {dimension_numbers = #tpu.dot_dimension_numbers<[1], [0], [0], [1], [0, 0, 1, 1], [], []>, transpose_lhs_hint = false} : vector<400x128xf32>, vector<128x128xf32>, vector<400x128xf32> -> vector<400x128xf32>
    %get3A_199 = arith.constant 7 : index
    %get3A_200 = arith.constant 0 : index
    %get3A_201 = arith.constant 0 : index
    %get3A_202 = vector.load %arg6[%get3A_199, %get3A_200, %get3A_201] : memref<8x128x128xf32, #tpu.memory_space<vmem>>, vector<1x128x128xf32>
    %get3A_203 = vector.shape_cast %get3A_202 : vector<1x128x128xf32> to vector<128x128xf32>
    %dot_general3A_204 = arith.constant dense<0.000000e+00> : vector<400x128xf32>
    %dot_general3A_205 = tpu.matmul %get3A_4, %get3A_203, %dot_general3A_204 {dimension_numbers = #tpu.dot_dimension_numbers<[1], [0], [0], [1], [0, 0, 1, 1], [], []>, transpose_lhs_hint = false} : vector<400x128xf32>, vector<128x128xf32>, vector<400x128xf32> -> vector<400x128xf32>
    %concatenate3A_206 = tpu.concatenate %dot_general3A_156, %dot_general3A_163, %dot_general3A_170, %dot_general3A_177, %dot_general3A_184, %dot_general3A_191, %dot_general3A_198, %dot_general3A_205 in 0 : vector<400x128xf32>, vector<400x128xf32>, vector<400x128xf32>, vector<400x128xf32>, vector<400x128xf32>, vector<400x128xf32>, vector<400x128xf32>, vector<400x128xf32> -> vector<3200x128xf32>
    %mul3A_207 = arith.mulf %concatenate3A_149, %concatenate3A_206 : vector<3200x128xf32>
    %get3A_208 = arith.constant 0 : index
    %get3A_209 = arith.constant 0 : index
    %get3A_210 = vector.load %arg4[%get3A_208, %get3A_209] : memref<128x128xf32, #tpu.memory_space<vmem>>, vector<128x128xf32>
    %dot_general3A_211 = arith.constant dense<0.000000e+00> : vector<3200x128xf32>
    %dot_general3A_212 = tpu.matmul %mul3A_207, %get3A_210, %dot_general3A_211 {dimension_numbers = #tpu.dot_dimension_numbers<[1], [0], [0], [1], [0, 0, 1, 1], [], []>, transpose_lhs_hint = false} : vector<3200x128xf32>, vector<128x128xf32>, vector<3200x128xf32> -> vector<3200x128xf32>
    %mul3A_213 = arith.mulf %dot_general3A_212, %mul3A_92 : vector<3200x128xf32>
    %get3A_214 = arith.constant 0 : index
    %get3A_215 = arith.constant 0 : index
    %get3A_216 = vector.load %arg8[%get3A_214, %get3A_215] : memref<128x8xf32, #tpu.memory_space<vmem>>, vector<128x8xf32>
    %dot_general3A_217 = arith.constant dense<0.000000e+00> : vector<3200x8xf32>
    %dot_general3A_218 = tpu.matmul %mul3A_213, %get3A_216, %dot_general3A_217 {dimension_numbers = #tpu.dot_dimension_numbers<[1], [0], [0], [1], [0, 0, 1, 1], [], []>, transpose_lhs_hint = false} : vector<3200x128xf32>, vector<128x8xf32>, vector<3200x8xf32> -> vector<3200x8xf32>
    %swap3A = arith.constant 0 : index
    %swap3A_219 = arith.constant 0 : index
    %swap3A_220 = vector.load %arg9[%swap3A, %swap3A_219] : memref<3200x8xf32, #tpu.memory_space<vmem>>, vector<3200x8xf32>
    tpu.vector_store %arg9[%swap3A, %swap3A_219], %dot_general3A_218 {strides = array<i32>} : memref<3200x8xf32, #tpu.memory_space<vmem>>, vector<3200x8xf32>,
    return
  }
  func.func @transform_0(%arg0: i32) -> (i32, i32) {
    %c0_i32 = arith.constant 0 : i32
    %c0_i32_0 = arith.constant 0 : i32
    return %arg0, %c0_i32 : i32, i32
  }
  func.func @transform_1(%arg0: i32) -> (i32, i32) {
    %c0_i32 = arith.constant 0 : i32
    %c0_i32_0 = arith.constant 0 : i32
    return %arg0, %c0_i32 : i32, i32
  }
  func.func @transform_2(%arg0: i32) -> (i32, i32, i32) {
    %c0_i32 = arith.constant 0 : i32
    %c0_i32_0 = arith.constant 0 : i32
    %c0_i32_1 = arith.constant 0 : i32
    %c0_i32_2 = arith.constant 0 : i32
    return %c0_i32, %c0_i32_0, %c0_i32_1 : i32, i32, i32
  }
  func.func @transform_3(%arg0: i32) -> (i32, i32) {
    %c0_i32 = arith.constant 0 : i32
    %c0_i32_0 = arith.constant 0 : i32
    %c0_i32_1 = arith.constant 0 : i32
    return %c0_i32, %c0_i32_0 : i32, i32
  }
  func.func @transform_4(%arg0: i32) -> (i32, i32, i32) {
    %c0_i32 = arith.constant 0 : i32
    %c0_i32_0 = arith.constant 0 : i32
    %c0_i32_1 = arith.constant 0 : i32
    %c0_i32_2 = arith.constant 0 : i32
    return %c0_i32, %c0_i32_0, %c0_i32_1 : i32, i32, i32
  }
  func.func @transform_5(%arg0: i32) -> (i32, i32, i32) {
    %c0_i32 = arith.constant 0 : i32
    %c0_i32_0 = arith.constant 0 : i32
    %c0_i32_1 = arith.constant 0 : i32
    %c0_i32_2 = arith.constant 0 : i32
    return %c0_i32, %c0_i32_0, %c0_i32_1 : i32, i32, i32
  }
  func.func @transform_6(%arg0: i32) -> (i32, i32) {
    %c0_i32 = arith.constant 0 : i32
    %c0_i32_0 = arith.constant 0 : i32
    %c0_i32_1 = arith.constant 0 : i32
    return %c0_i32, %c0_i32_0 : i32, i32
  }
  func.func @transform_7(%arg0: i32) -> (i32, i32) {
    %c0_i32 = arith.constant 0 : i32
    %c0_i32_0 = arith.constant 0 : i32
    %c0_i32_1 = arith.constant 0 : i32
    return %c0_i32, %c0_i32_0 : i32, i32
  }
  func.func @transform_8(%arg0: i32) -> (i32, i32) {
    %c0_i32 = arith.constant 0 : i32
    %c0_i32_0 = arith.constant 0 : i32
    return %arg0, %c0_i32 : i32, i32
  }
}

</mosaic_0001>

<sc_bundles>
// kernel: kernel.4.cloned.1.call-start
scs
__scs_entry_jumppad:
0x0: {  	(pc) =	sbr.rel $0x88, $3  }
0x1: {  	(tag) =	ssettag $0x0;
	lr =	simm.s32 $0x1  }
0x2: {  	[smem:$0x3F9C] =	sst lr;
	_ =	strace $0xD0000000  }
0x3: {  	_ = 	snop  }
0x4: {  	_ = 	snop  }
0x5: {  	_ = 	snop  }
0x6: {  	_ = 	snop  }
0x7: {  	_ = 	snop  }
__scs_overlays_trampoline_lowered:
0x8: {  	[smem:$0x3FAB] =	sst s0  }
0x9: {  	[smem:$0x3FAC] =	sst s1  }
0xa: {  	[smem:$0x3FAD] =	sst s2  }
0xb: {  	[smem:$0x3FAE] =	sst s3  }
0xc: {  	[smem:$0x3FAF] =	sst s4  }
0xd: {  	[smem:$0x3FB0] =	sst s5  }
0xe: {  	[smem:$0x3FB1] =	sst s6  }
0xf: {  	[smem:$0x3FB2] =	sst s7  }
0x10: {  	[smem:$0x3FB3] =	sst s8  }
0x11: {  	[smem:$0x3FB4] =	sst s9;
	s0 =	simm.s32 @!p0 $0x0  }
0x12: {  	s1 =	sld [smem:$0x3F9A];
	s0 =	simm.s32 @p0 $0x1  }
0x13: {  	[smem:$0x3FB5] =	sst s0;
	s0 =	simm.s32 @!p1 $0x0  }
0x14: {  	s2 =	sld [smem:$0x3F99];
	s0 =	simm.s32 @p1 $0x1  }
0x15: {  	[smem:$0x3FB6] =	sst s0;
	s0 =	simm.s32 @!p2 $0x0  }
0x16: {  	s3 =	sld [smem:$0x3FDB];
	s0 =	simm.s32 @p2 $0x1  }
0x17: {  	s4 =	simm.s32 $0x1BF5;
	[smem:$0x3FB8] =	sst s0  }
0x18: {  	s0 =	sld [smem:$0x3F9B];
	_ =	swait.ge [sflag:s4], $0x0  }
0x19: {  	s7 =	sld [smem:$0x3F9C]  }
0x1a: {  	s8 =	sadd.s32 $0xFFFFE003, lr  }
0x1b: {  	s9 =	sadd.s32 $0xFFFFFEF7, lr;
	s5 =	simm.s32 $0xFFFFFFFF;
	p2 =	slt.u32 s8, $0xFFFFF086  }
0x1c: {  	p1 =	slt.u32 s9, $0xF7A;
	s5 =	simm.s32 @!p2 $0x0  }
0x1d: {  	s5 =	simm.s32 @p1 $0x1;
	p0 =	seq.s32 s7, s2  }
0x1e: {  	s7 =	smul.u32 @!p0 $0xF7A, s2;
	p2 =	seq.s32 @!p0 s5, $0x0  }
0x1f: {  	s9 =	smul.u32 $0xF7A, s1;
	s8 =	simm.s32 @!p0 $0x1BF5;
	p2 =	por !p2, p0  }
0x20: {  	[sflag:s8] =	ssyncset.s32 @!p0 $0xFFFFF086;
	s6 =	sadd.s32 @!p0 s3, s7;
	s7 =	simm.s32 @!p0 $0x108  }
0x21: {  	s3 =	sadd.s32 s3, s9;
	s6 =	sadd.s32 @!p0 $0x88, s6;
	s7 =	simm.s32 @p2 $0x1082  }
0x22: {  	[simem:s7], [sflag:s8] =	dma.local @!p0 [hbm:s6], $0xF7A  }
0x23: {  	s9 =	sor.u32 $0xD0000000, s2;
	s6 =	simm.s32 $0x108;
	_ =	swait.ge @!p0 [sflag:s8], $0x0  }
0x24: {  	s3 =	sadd.s32 $0x88, s3;
	s6 =	simm.s32 @!p1 $0x1082;
	[sflag:s4] =	ssyncset.s32 $0xFFFFF086  }
0x25: {  	[simem:s6], [sflag:s4] =	dma.local [hbm:s3], $0xF7A  }
0x26: {  	[smem:$0x3F9C] =	sst s1;
	(tag) =	ssettag s2;
	_ =	strace s9  }
0x27: {  	s1 =	sld [smem:$0x3FAC]  }
0x28: {  	s2 =	sld [smem:$0x3FAD]  }
0x29: {  	s4 =	sld [smem:$0x3FAF]  }
0x2a: {  	p0 =	seq.s32 s5, $0x0;
	s5 =	sld [smem:$0x3FB0]  }
0x2b: {  	s6 =	sld [smem:$0x3FB1]  }
0x2c: {  	s7 =	sld [smem:$0x3FB2]  }
0x2d: {  	s3 =	simm.s32 $0x108;
	s8 =	sld [smem:$0x3FB3]  }
0x2e: {  	s3 =	simm.s32 @!p0 $0x1082;
	s9 =	sld [smem:$0x3FB4]  }
0x2f: {  	lr =	sadd.s32 s0, s3;
	s0 =	sld [smem:$0x3FAB]  }
0x30: {  	s3 =	sld [smem:$0x3FAE]  }
0x31: {  	[smem:$0x3FB7] =	sst s10  }
0x32: {  	s10 =	sld [smem:$0x3FB5];
	_ =	sdelay $0x3  }
0x33: {  	p0 =	seq.s32 s10, $0x1;
	s10 =	sld [smem:$0x3FB7];
	_ =	sdelay $0x3  }
0x34: {  	[smem:$0x3FB7] =	sst s10  }
0x35: {  	s10 =	sld [smem:$0x3FB6];
	_ =	sdelay $0x3  }
0x36: {  	p1 =	seq.s32 s10, $0x1;
	s10 =	sld [smem:$0x3FB7];
	_ =	sdelay $0x3  }
0x37: {  	[smem:$0x3FB7] =	sst s10  }
0x38: {  	s10 =	sld [smem:$0x3FB8]  }
0x39: {  	_ = 	snop;
	(pc) =	sbr.ind lr, $3  }
0x3a: {  	_ = 	snop  }
0x3b: {  	_ = 	snop  }
0x3c: {  	p2 =	seq.s32 s10, $0x1;
	s10 =	sld [smem:$0x3FB7]  }
0x3d: {  	_ =	shalt  }
0x3e: {  	_ =	shalt  }
0x3f: {  	_ =	shalt  }
0x40: {  	_ =	shalt  }
0x41: {  	_ =	shalt  }
0x42: {  	_ =	shalt  }
0x43: {  	_ =	shalt  }
0x44: {  	_ =	shalt  }
0x45: {  	_ =	shalt  }
0x46: {  	_ =	shalt  }
0x47: {  	_ =	shalt  }
0x48: {  	_ =	shalt  }
0x49: {  	_ =	shalt  }
0x4a: {  	_ =	shalt  }
0x4b: {  	_ =	shalt  }
0x4c: {  	_ =	shalt  }
0x4d: {  	_ =	shalt  }
0x4e: {  	_ =	shalt  }
0x4f: {  	_ =	shalt  }
0x50: {  	_ =	shalt  }
0x51: {  	_ =	shalt  }
0x52: {  	_ =	shalt  }
0x53: {  	_ =	shalt  }
0x54: {  	_ =	shalt  }
0x55: {  	_ =	shalt  }
0x56: {  	_ =	shalt  }
0x57: {  	_ =	shalt  }
0x58: {  	_ =	shalt  }
0x59: {  	_ =	shalt  }
0x5a: {  	_ =	shalt  }
0x5b: {  	_ =	shalt  }
0x5c: {  	_ =	shalt  }
0x5d: {  	_ =	shalt  }
0x5e: {  	_ =	shalt  }
0x5f: {  	_ =	shalt  }
0x60: {  	_ =	shalt  }
0x61: {  	_ =	shalt  }
0x62: {  	_ =	shalt  }
0x63: {  	_ =	shalt  }
0x64: {  	_ =	shalt  }
0x65: {  	_ =	shalt  }
0x66: {  	_ =	shalt  }
0x67: {  	_ =	shalt  }
0x68: {  	_ =	shalt  }
0x69: {  	_ =	shalt  }
0x6a: {  	_ =	shalt  }
0x6b: {  	_ =	shalt  }
0x6c: {  	_ =	shalt  }
0x6d: {  	_ =	shalt  }
0x6e: {  	_ =	shalt  }
0x6f: {  	_ =	shalt  }
0x70: {  	_ =	shalt  }
0x71: {  	_ =	shalt  }
0x72: {  	_ =	shalt  }
0x73: {  	_ =	shalt  }
0x74: {  	_ =	shalt  }
0x75: {  	_ =	shalt  }
0x76: {  	_ =	shalt  }
0x77: {  	_ =	shalt  }
0x78: {  	_ =	shalt  }
0x79: {  	_ =	shalt  }
0x7a: {  	_ =	shalt  }
0x7b: {  	_ =	shalt  }
0x7c: {  	_ =	shalt  }
0x7d: {  	_ =	shalt  }
0x7e: {  	_ =	shalt  }
0x7f: {  	_ =	shalt  }
0x80: {  	_ =	shalt  }
0x81: {  	_ =	shalt  }
0x82: {  	_ =	shalt  }
0x83: {  	_ =	shalt  }
0x84: {  	_ =	shalt  }
0x85: {  	_ =	shalt  }
0x86: {  	_ =	shalt  }
0x87: {  	_ =	shalt  }
.Lfunc_end0:
.L_simem_size_0:
called_computation_lowered:
.L_overlay_start_0:
0x88: {  	s2 =	sld [smem:$0x3FD9]  }
0x89: {  	s3 =	sld [smem:$0x3FFE];
	_ =	sdelay $0x1  }
0x8a: {  	s1 =	srdreg.scid  }
0x8b: {  	s0 =	sand.u32 $0x1, s1  }
0x8c: {  	s17 =	sshll.u32 s0, $0xA;
	s2 =	sadd.s32 s3, s2  }
0x8d: {  	s2 =	sadd.s32 s2, s17  }
0x8e: {  	[smem:$0x3FC3] =	sst s2  }
0x8f: {  	_ = 	snop  }
0x90: {  	s2 =	sld [smem:$0x3FD0];
	(tm) =	ssettm $0x1  }
0x91: {  	s18 =	sld [smem:$0x3FFB];
	_ =	sdelay $0x3  }
0x92: {  	_ =	strace s18  }
0x93: {  	s3 =	sld [smem:$0x3FFC];
	_ =	sdelay $0x3  }
0x94: {  	_ =	strace s3  }
0x95: {  	s3 =	sld [smem:$0x3FFD];
	_ =	sdelay $0x3  }
0x96: {  	_ =	strace s3  }
0x97: {  	_ =	strace $0x8FFFFFFF  }
0x98: {  	s19 =	sld [smem:$0x3FDB];
	_ =	sdelay $0x1  }
0x99: {  	s4 =	simm.s32 $_scs_section_size  }
0x9a: {  	s5 =	simm.s32 $_size__tile_overlayer_lowered;
	s6 =	simm.s32 $_tile_overlayer_lowered  }
0x9b: {  	s22 =	simm.s32 $0x1BFF;
	s21 =	sshll.u32 s6, $0x1;
	s3 =	sadd.s32 s4, s19  }
0x9c: {  	s7 =	simm.s32 $0x0;
	s20 =	sshll.u32 s5, $0x1;
	s5 =	sadd.s32 s21, s3  }
0x9d: {  	[timem:s7], [sflag:s22] =	dma.local [hbm:s5], s20  }
0x9e: {  	_ =	swait.ge [sflag:s22], s20  }
0x9f: {  	s4 =	ssub.s32 $0x0, s20;
	[sflag:s22] =	ssyncset.done $0x0  }
0xa0: {  	[sflag:s22] =	ssyncadd.s32 s4;
	_ =	sdelay $0x1  }
0xa1: {  	s23 =	simm.s32 $0x1B8B  }
0xa2: {  	_ =	swait.ge [sflag:s23], $0x1  }
0xa3: {  	[sflag:s23] =	ssyncset.done $0x0  }
0xa4: {  	s25 =	simm.s32 $0x1B8E;
	s24 =	sld [smem:$0x3FFE];
	[sflag:s23] =	ssyncadd.s32 $0xFFFFFFFF  }
0xa5: {  	s26 =	simm.s32 $execute0_lowered;
	[smem:$0x3FD2] =	sst s25  }
0xa6: {  	s5 =	sshll.u32 s26, $0x1;
	_ =	strace $0x80000046;
	[dreg:$0x1] =	wrdreg $0xFFFFFFFF  }
0xa7: {  	s28 =	simm.s32 $_size_execute0_lowered;
	s3 =	sadd.s32 s3, s5;
	[dreg:$0x0] =	wrdreg $0x0  }
0xa8: {  	s5 =	sshll.u32 s28, $0x1;
	[dreg:$0x2] =	wrdreg s3  }
0xa9: {  	[dreg:$0x3] =	wrdreg s5  }
0xaa: {  	[dreg:$0x4] =	wrdreg $0xC0  }
0xab: {  	_ =	task [dreg:s7], $0x5FFFF  }
0xac: {  	[dreg:$0x1] =	wrdreg $0xFFFFFFFF  }
0xad: {  	[dreg:$0x0] =	wrdreg $0x60  }
0xae: {  	[dreg:$0x2] =	wrdreg s24  }
0xaf: {  	[dreg:$0x3] =	wrdreg s2  }
0xb0: {  	[dreg:$0x4] =	wrdreg $0x9  }
0xb1: {  	_ =	task.clear_ibuf [dreg:s7], $0x5FFFF;
	_ =	strace $0x90000046  }
0xb2: {  	s29 =	simm.s32 $0x9;
	_ =	strace $0x80000048  }
0xb3: {  	_ =	swait.ge [sflag:s29], $0x1  }
0xb4: {  	[sflag:s29] =	ssyncadd.s32 $0xFFFFFFFF  }
0xb5: {  	_ =	strace $0x90000048  }
0xb6: {  	_ =	sfence  }
0xb7: {  	s30 =	sld [smem:$0x0];
	_ =	sdelay $0x2  }
0xb8: {  	s31 =	sshll.u32 s1, $0xD;
	s1 =	sshrl.u32 s1, $0x2  }
0xb9: {  	s3 =	sand.u32 $0x4000, s31;
	s1 =	sadd.s32 s1, s30  }
0xba: {  	s0 =	sor.u32 s3, s0;
	s1 =	sshll.u32 s1, $0x11  }
0xbb: {  	s0 =	sor.u32 s1, s0  }
0xbc: {  	s0 =	sadd.s32 $0x8F2B, s0  }
0xbd: {  	[sflag:s0] =	ssyncadd.remote.s32 $0x1  }
0xbe: {  	_ =	sfence.sel $0xFFFF  }
0xbf: {  	[dreg:$0x0] =	wrdreg $0xFFFFFFFF;
	(pc) =	sbr.abs _section_cstart, $3  }
0xc0: {  	[dreg:$0x1] =	wrdreg $0xFFFFFFFF  }
0xc1: {  	_ =	task.clear_ibuf [dreg:s7], $0x2FFFF;
	_ =	strace $0x9FFFFFFF  }
0xc2: {  	(tm) =	ssettm $0x7FFFFFFF  }
0xc3: {  	_ =	shalt  }
tec
execute0_lowered:
.L_overlay_start_1:
0x0: {  	(tag) =	ssettag $0x1  }
0x1: {  	s0 =	rddreg [dreg:$0x0]  }
0x2: {  	s1 =	rddreg [dreg:$0x1];
	s3 =	srdreg.scid  }
0x3: {  	s13 =	stileid.u32;
	s2 =	simm.s32 $0x0;
	s16 =	simm.s32 $0x1400  }
0x4: {  	s17 =	simm.s32 $0x80;
	s18 =	simm.s32 $0x2800;
	s19 =	simm.s32 $0x3000  }
0x5: {  	s20 =	simm.s32 $0x3800;
	s28 =	simm.s32 $0x5;
	s29 =	simm.s32 $0x6  }
0x6: {  	s30 =	simm.s32 $0x7;
	s31 =	simm.s32 $0x8;
	s23 =	smul.u32 $0x2800, s13  }
0x7: {  	s5 =	sand.u32 $0x1, s3;
	s22 =	sshll.u32 s13, $0x1;
	s13 =	smul.u32 $0x5000, s13  }
0x8: {  	[smem:$0x7FF] =	sst s2;
	s3 =	sadd.s32 $0x1C00, s0;
	s10 =	smul.u32 $0x1400, s5  }
0x9: {  	s4 =	sor.u32 s5, s22;
	s7 =	ssub.s32 $0x2, s5;
	s5 =	smul.u32 $0x2800, s5  }
0xa: {  	s12 =	sadd.s32 $0x6C00, s0;
	s0 =	sadd.s32 $0x56C00, s0;
	s6 =	smul.u32 $0x1400, s4  }
0xb: {  	_ =	strace $0x80000047;
	s22 =	simm.s32 $0x4000;
	s9 =	smul.u32 $0x2800, s4  }
0xc: {  	s8 =	sshrl.u32 s7, $0x1;
	s14 =	sadd.s32 s13, s0;
	s15 =	sadd.s32 s13, s12  }
0xd: {  	s24 =	ssub.s32 s7, s8;
	s14 =	sadd.s32 s5, s14;
	s26 =	sadd.s32 s5, s15  }
0xe: {  	s15 =	simm.s32 $0x9;
	s6 =	sshrl.u32 s6, $0x3;
	s7 =	sadd.s32 s12, s9  }
0xf: {  	s11 =	sor.u32 $0x100, s9;
	s9 =	sadd.s32 s0, s9;
	s13 =	sadd.s32 $0x200, s14  }
0x10: {  	s14 =	sadd.s32 $0x200, s26;
	s26 =	simm.s32 $0x4;
	s4 =	sadd.s32 s1, s6  }
0x11: {  	s6 =	smax.u32 s24, $0x1;
	s8 =	sadd.s32 s12, s11;
	s1 =	sadd.s32 s10, s23  }
0x12: {  	s10 =	sadd.s32 s0, s11;
	s23 =	simm.s32 $0x1;
	s24 =	simm.s32 $0x2  }
0x13: {  	s25 =	sadd.s32 $0x5000, s4;
	[dreg:$0x4] =	wrdreg s6;
	s1 =	sshll.u32 s1, $0x1  }
0x14: {  	[dreg:$0x3] =	wrdreg s25;
	s1 =	sor.u32 $0x300, s1;
	s25 =	simm.s32 $0x3  }
0x15: {  	s11 =	sadd.s32 s1, s12;
	s12 =	sadd.s32 s1, s0;
	s0 =	simm.s32 $0x0  }
.LBB2_1:
0x16: {  	[tilespmem:s2], [sflag:$0x9] =	stream.linear.gather [hbm4b:s4+s2], $0x1400, $0x38;
	[tilespmem:$0x4800] =	vst v63  }
0x17: {  	_ =	swait.ge [sflag:s15], $0x1400  }
0x18: {  	[sflag:s15] =	ssyncset.done $0x0  }
0x19: {  	s1 =	rddreg [dreg:$0x3];
	[sflag:s15] =	ssyncadd.s32 $0xFFFFEC00  }
0x1a: {  	[tilespmem:s16], [sflag:$0x9] =	stream.linear.gather [hbm4b:s1+s2], $0x1400, $0x38;
	[tilespmem:$0x4800] =	vst v63  }
0x1b: {  	_ =	swait.ge [sflag:s15], $0x1400  }
0x1c: {  	[sflag:s15] =	ssyncset.done $0x0  }
0x1d: {  	[sflag:s15] =	ssyncadd.s32 $0xFFFFEC00  }
0x1e: {  	[tilespmem:s18], [sflag:$0x1] =	stream.indirect.gather [hbm4b:s3+s17], $0x10, s2, s17, $0xb8;
	[tilespmem:$0x4800] =	vst v63  }
0x1f: {  	_ = 	snop  }
0x20: {  	[tilespmem:s19], [sflag:$0x2] =	stream.indirect.gather [hbm4b:s3+s17], $0x10, s17, s17, $0xb8;
	[tilespmem:$0x4800] =	vst v63  }
0x21: {  	_ = 	snop  }
0x22: {  	[tilespmem:s20], [sflag:$0x3] =	stream.indirect.gather [hbm4b:s3+s17], $0x10, s16, s17, $0xb8;
	[tilespmem:$0x4800] =	vst v63  }
0x23: {  	s6 =	simm.s32 $0x1480  }
0x24: {  	[tilespmem:s22], [sflag:$0x4] =	stream.indirect.gather [hbm4b:s3+s17], $0x10, s6, s17, $0xb8;
	[tilespmem:$0x4800] =	vst v63  }
0x25: {  	_ =	swait.ge [sflag:s23], $0x800  }
0x26: {  	[sflag:s23] =	ssyncset.done $0x0  }
0x27: {  	[sflag:s23] =	ssyncadd.s32 $0xFFFFF800  }
0x28: {  	[hbm4b:s7+s2] =	stream.linear.scatter [tilespmem:s18], [sflag:$0x5], $0x800, $0x38;
	[tilespmem:$0x4800] =	vst v63  }
0x29: {  	_ =	swait.ge [sflag:s24], $0x800  }
0x2a: {  	[sflag:s24] =	ssyncset.done $0x0  }
0x2b: {  	[sflag:s24] =	ssyncadd.s32 $0xFFFFF800  }
0x2c: {  	[hbm4b:s8+s2] =	stream.linear.scatter [tilespmem:s19], [sflag:$0x6], $0x800, $0x38;
	[tilespmem:$0x4800] =	vst v63  }
0x2d: {  	_ =	swait.ge [sflag:s25], $0x800  }
0x2e: {  	[sflag:s25] =	ssyncset.done $0x0  }
0x2f: {  	[sflag:s25] =	ssyncadd.s32 $0xFFFFF800  }
0x30: {  	[hbm4b:s9+s2] =	stream.linear.scatter [tilespmem:s20], [sflag:$0x7], $0x800, $0x38;
	[tilespmem:$0x4800] =	vst v63  }
0x31: {  	_ =	swait.ge [sflag:s26], $0x800  }
0x32: {  	[sflag:s26] =	ssyncset.done $0x0  }
0x33: {  	[sflag:s26] =	ssyncadd.s32 $0xFFFFF800  }
0x34: {  	[hbm4b:s10+s2] =	stream.linear.scatter [tilespmem:s22], [sflag:$0x8], $0x800, $0x38;
	[tilespmem:$0x4800] =	vst v63  }
0x35: {  	_ =	swait.ge [sflag:s28], $0x800  }
0x36: {  	[sflag:s28] =	ssyncset.done $0x0  }
0x37: {  	s21 =	simm.s32 $0x100;
	[sflag:s28] =	ssyncadd.s32 $0xFFFFF800  }
0x38: {  	[tilespmem:s18], [sflag:$0x1] =	stream.indirect.gather [hbm4b:s3+s17], $0x10, s21, s17, $0xb8;
	[tilespmem:$0x4800] =	vst v63  }
0x39: {  	_ =	swait.ge [sflag:s29], $0x800  }
0x3a: {  	[sflag:s29] =	ssyncset.done $0x0  }
0x3b: {  	s5 =	simm.s32 $0x180;
	[sflag:s29] =	ssyncadd.s32 $0xFFFFF800  }
0x3c: {  	[tilespmem:s19], [sflag:$0x2] =	stream.indirect.gather [hbm4b:s3+s17], $0x10, s5, s17, $0xb8;
	[tilespmem:$0x4800] =	vst v63  }
0x3d: {  	_ =	swait.ge [sflag:s30], $0x800  }
0x3e: {  	[sflag:s30] =	ssyncset.done $0x0  }
0x3f: {  	s6 =	simm.s32 $0x1500;
	[sflag:s30] =	ssyncadd.s32 $0xFFFFF800  }
0x40: {  	[tilespmem:s20], [sflag:$0x3] =	stream.indirect.gather [hbm4b:s3+s17], $0x10, s6, s17, $0xb8;
	[tilespmem:$0x4800] =	vst v63  }
0x41: {  	_ =	swait.ge [sflag:s31], $0x800  }
0x42: {  	[sflag:s31] =	ssyncset.done $0x0  }
0x43: {  	s21 =	simm.s32 $0x1580;
	[sflag:s31] =	ssyncadd.s32 $0xFFFFF800  }
0x44: {  	[tilespmem:s22], [sflag:$0x4] =	stream.indirect.gather [hbm4b:s3+s17], $0x10, s21, s17, $0xb8;
	[tilespmem:$0x4800] =	vst v63  }
0x45: {  	_ =	swait.ge [sflag:s23], $0x800  }
0x46: {  	[sflag:s23] =	ssyncset.done $0x0  }
0x47: {  	s5 =	sadd.s32 $0x0, s14;
	[sflag:s23] =	ssyncadd.s32 $0xFFFFF800  }
0x48: {  	[hbm4b:s5+s2] =	stream.linear.scatter [tilespmem:s18], [sflag:$0x5], $0x800, $0x38;
	[tilespmem:$0x4800] =	vst v63  }
0x49: {  	_ =	swait.ge [sflag:s24], $0x800  }
0x4a: {  	[sflag:s24] =	ssyncset.done $0x0  }
0x4b: {  	s6 =	sadd.s32 $0x0, s11;
	[sflag:s24] =	ssyncadd.s32 $0xFFFFF800  }
0x4c: {  	[hbm4b:s6+s2] =	stream.linear.scatter [tilespmem:s19], [sflag:$0x6], $0x800, $0x38;
	[tilespmem:$0x4800] =	vst v63  }
0x4d: {  	_ =	swait.ge [sflag:s25], $0x800  }
0x4e: {  	[sflag:s25] =	ssyncset.done $0x0  }
0x4f: {  	s21 =	sadd.s32 $0x0, s13;
	[sflag:s25] =	ssyncadd.s32 $0xFFFFF800  }
0x50: {  	[hbm4b:s21+s2] =	stream.linear.scatter [tilespmem:s20], [sflag:$0x7], $0x800, $0x38;
	[tilespmem:$0x4800] =	vst v63  }
0x51: {  	_ =	swait.ge [sflag:s26], $0x800  }
0x52: {  	s1 =	simm.s32 $0x200;
	[sflag:s26] =	ssyncset.done $0x0  }
0x53: {  	s5 =	sadd.s32 $0x0, s12;
	s21 =	simm.s32 $0x1680;
	[sflag:s26] =	ssyncadd.s32 $0xFFFFF800  }
.LBB2_2:
0x54: {  	[hbm4b:s5+s2] =	stream.linear.scatter [tilespmem:s22], [sflag:$0x8], $0x800, $0x38;
	[tilespmem:$0x4800] =	vst v63  }
0x55: {  	s5 =	smov.u32 s1  }
0x56: {  	p0 =	sne.s32 s1, $0x2400;
	s1 =	sadd.s32 $0x200, s1;
	_ =	swait.ge [sflag:s28], $0x800  }
0x57: {  	[sflag:s28] =	ssyncset.done $0x0  }
0x58: {  	s6 =	sadd.s32 $0xFFFFEB80, s21;
	[sflag:s28] =	ssyncadd.s32 $0xFFFFF800  }
0x59: {  	[tilespmem:s18], [sflag:$0x1] =	stream.indirect.gather [hbm4b:s3+s17], $0x10, s6, s17, $0xb8;
	[tilespmem:$0x4800] =	vst v63  }
0x5a: {  	_ =	swait.ge [sflag:s29], $0x800  }
0x5b: {  	[sflag:s29] =	ssyncset.done $0x0  }
0x5c: {  	s6 =	sadd.s32 $0xFFFFEC00, s21;
	[sflag:s29] =	ssyncadd.s32 $0xFFFFF800  }
0x5d: {  	[tilespmem:s19], [sflag:$0x2] =	stream.indirect.gather [hbm4b:s3+s17], $0x10, s6, s17, $0xb8;
	[tilespmem:$0x4800] =	vst v63  }
0x5e: {  	_ =	swait.ge [sflag:s30], $0x800  }
0x5f: {  	[sflag:s30] =	ssyncset.done $0x0  }
0x60: {  	s6 =	sadd.s32 $0xFFFFFF80, s21;
	[sflag:s30] =	ssyncadd.s32 $0xFFFFF800  }
0x61: {  	[tilespmem:s20], [sflag:$0x3] =	stream.indirect.gather [hbm4b:s3+s17], $0x10, s6, s17, $0xb8;
	[tilespmem:$0x4800] =	vst v63  }
0x62: {  	_ =	swait.ge [sflag:s31], $0x800  }
0x63: {  	[sflag:s31] =	ssyncset.done $0x0  }
0x64: {  	[sflag:s31] =	ssyncadd.s32 $0xFFFFF800  }
0x65: {  	[tilespmem:s22], [sflag:$0x4] =	stream.indirect.gather [hbm4b:s3+s17], $0x10, s21, s17, $0xb8;
	[tilespmem:$0x4800] =	vst v63  }
0x66: {  	_ =	swait.ge [sflag:s23], $0x800  }
0x67: {  	[sflag:s23] =	ssyncset.done $0x0  }
0x68: {  	s6 =	sadd.s32 s5, s14;
	[sflag:s23] =	ssyncadd.s32 $0xFFFFF800  }
0x69: {  	[hbm4b:s6+s2] =	stream.linear.scatter [tilespmem:s18], [sflag:$0x5], $0x800, $0x38;
	[tilespmem:$0x4800] =	vst v63  }
0x6a: {  	_ =	swait.ge [sflag:s24], $0x800  }
0x6b: {  	[sflag:s24] =	ssyncset.done $0x0  }
0x6c: {  	s6 =	sadd.s32 s5, s11;
	[sflag:s24] =	ssyncadd.s32 $0xFFFFF800  }
0x6d: {  	[hbm4b:s6+s2] =	stream.linear.scatter [tilespmem:s19], [sflag:$0x6], $0x800, $0x38;
	[tilespmem:$0x4800] =	vst v63  }
0x6e: {  	_ =	swait.ge [sflag:s25], $0x800  }
0x6f: {  	[sflag:s25] =	ssyncset.done $0x0  }
.Ltmp0:
0x70: {  	s6 =	sadd.s32 s5, s13;
	[sflag:s25] =	ssyncadd.s32 $0xFFFFF800;
	(pc) =	sbr.rel @p0 .LBB2_2-.Ltmp0, $4  }
0x71: {  	[hbm4b:s6+s2] =	stream.linear.scatter [tilespmem:s20], [sflag:$0x7], $0x800, $0x38;
	[tilespmem:$0x4800] =	vst v63  }
0x72: {  	_ =	swait.ge [sflag:s26], $0x800  }
0x73: {  	[sflag:s26] =	ssyncset.done $0x0  }
0x74: {  	s21 =	sadd.s32 $0x100, s21;
	s5 =	sadd.s32 s5, s12;
	[sflag:s26] =	ssyncadd.s32 $0xFFFFF800  }
0x75: {  	[hbm4b:s5+s2] =	stream.linear.scatter [tilespmem:s22], [sflag:$0x8], $0x800, $0x38;
	[tilespmem:$0x4800] =	vst v63  }
0x76: {  	_ =	swait.ge [sflag:s28], $0x800  }
0x77: {  	[sflag:s28] =	ssyncset.done $0x0  }
0x78: {  	[sflag:s28] =	ssyncadd.s32 $0xFFFFF800  }
0x79: {  	_ =	swait.ge [sflag:s29], $0x800  }
0x7a: {  	[sflag:s29] =	ssyncset.done $0x0  }
0x7b: {  	[sflag:s29] =	ssyncadd.s32 $0xFFFFF800  }
0x7c: {  	_ =	swait.ge [sflag:s30], $0x800  }
0x7d: {  	[sflag:s30] =	ssyncset.done $0x0  }
0x7e: {  	[sflag:s30] =	ssyncadd.s32 $0xFFFFF800  }
0x7f: {  	_ =	swait.ge [sflag:s31], $0x800  }
0x80: {  	s0 =	sadd.s32 $0x1, s0;
	s1 =	rddreg [dreg:$0x4]  }
0x81: {  	p0 =	sne.s32 s0, s1  }
.Ltmp1:
0x82: {  	_ = 	snop;
	(pc) =	sbr.rel @p0 .LBB2_1-.Ltmp1, $3  }
0x83: {  	_ =	sdelay $0x1  }
0x84: {  	[sflag:s31] =	ssyncset.done $0x0  }
0x85: {  	[sflag:s31] =	ssyncadd.s32 $0xFFFFF800  }
0x86: {  	_ =	sfence.sel $0x180000  }
0x87: {  	[bflag:$0x0] =	sbarrier.arrive $0xFFFF  }
0x88: {  	_ =	strace $0x90000047  }
0x89: {  	s0 =	stileid.u32;
	[bflag:$0x2] =	sbarrier.arrive $0xFFFF  }
0x8a: {  	p0 =	sne.s32 s0, $0x0;
	s0 =	rddreg [dreg:$0x2]  }
0x8b: {  	s0 =	sadd.s32 @!p0 $0x100000, s0  }
0x8c: {  	[sflag:s0] =	ssyncadd.tile.s32 @!p0 $0x1;
	_ =	shalt  }
.Lfunc_end2:
_tile_overlayer_lowered:
.L_overlay_start_2:
0x8d: {  	(tag) =	ssettag $0x2  }
0x8e: {  	s0 =	rddreg [dreg:$0x0];
	s2 =	stileid.u32  }
0x8f: {  	s1 =	rddreg [dreg:$0x1];
	p0 =	sne.s32 s2, $0x0  }
0x90: {  	s3 =	rddreg [dreg:$0x2];
	[bflag:$0x3] =	sbarrier.arrive $0xFFFF;
	s2 =	simm.s32 @!p0 $0x1C09  }
0x91: {  	[timem:s3], [sflag:s2] =	dma.local @!p0 [hbm:s0], s1  }
0x92: {  	s0 =	simm.s32 @!p0 $0x9  }
0x93: {  	_ =	swait.ge @!p0 [sflag:s0], s1  }
0x94: {  	s1 =	ssub.s32 @!p0 $0x0, s1;
	[sflag:s0] =	ssyncset.done @!p0 $0x0  }
0x95: {  	[sflag:s0] =	ssyncadd.s32 @!p0 s1  }
0x96: {  	[bflag:$0x3] =	sbarrier.arrive $0xFFFF  }
0x97: {  	_ =	shalt  }

</sc_bundles>
